<compile_context>
chip_gen: v7x
topology: tpu7x:2x2x1
jax: 0.10.2.dev20260603
libtpu: 0.0.44.dev20260713+nightly
codegen_flags: <defaults>
</compile_context>

<pallas_src>
import jax
import jax.numpy as jnp
import numpy as np
from jax import lax
from jax.experimental import pallas as pl
from jax.experimental.pallas import tpu as pltpu, tpu_sc as plsc

_D = 25
_N = 100000
_G = _N // 4
_S1 = 10
_NW = 32
_B1 = 128
_H1 = _B1 * _S1
_CH = 128
_NCH = _H1 // _CH
_CW = _CH * _D
_H2 = _H1 * _D
_TR = 1000


def _pack_tc(adj):
    adj_t = jnp.swapaxes(adj, 0, 1)

    bn = 8192

    def body(x, o):
        xt = x[...].T
        xr = xt.reshape(bn // 4, 4, _D)
        o[...] = jnp.pad(xr, ((0, 0), (0, 0), (0, 7))).reshape(bn // 4, 128)

    nblk = (_N + bn - 1) // bn
    return pl.pallas_call(
        body,
        grid=(nblk,),
        in_specs=[pl.BlockSpec((_D, bn), lambda i: (0, i))],
        out_specs=pl.BlockSpec((bn // 4, 128), lambda i: (i, 0)),
        out_shape=jax.ShapeDtypeStruct((_G, 128), jnp.int32),
    )(adj_t)


def _sc_sample(padt, seeds, r1, c1, r2, c2):
    mesh = plsc.VectorSubcoreMesh(
        core_axis_name="c", subcore_axis_name="s", num_cores=2, num_subcores=16)

    def body(padt_hbm, seeds_hbm, r1_hbm, c1_hbm, r2_hbm, c2_hbm,
             out1_hbm, out2_hbm,
             ids_v, st1_v, st2a_v, st2b_v, st2c_v, out1_v, out2_v,
             r1_v, c1_v, r2_v, c2_v, g_v, kb_v,
             sem_in, sem_g, sem_w):
        wid = lax.axis_index("s") * 2 + lax.axis_index("c")

        cps = [
            pltpu.async_copy(seeds_hbm.at[pl.ds(wid * _B1, _B1)], ids_v, sem_in),
            pltpu.async_copy(r1_hbm, r1_v, sem_in),
            pltpu.async_copy(c1_hbm, c1_v, sem_in),
            pltpu.async_copy(r2_hbm, r2_v, sem_in),
            pltpu.async_copy(c2_hbm, c2_v, sem_in),
        ]
        for cp in cps:
            cp.wait()

        def decompose(src_ref, n, dst_g, dst_kb, goff):
            @plsc.parallel_loop(0, n, step=16)
            def _(t):
                idv = src_ref[pl.ds(t, 16)]
                dst_g[pl.ds(t, 16)] = (idv >> 2) + goff
                dst_kb[pl.ds(t, 16)] = (idv & 3) * 32

        decompose(ids_v, _B1, g_v, kb_v, 0)
        pltpu.async_copy(padt_hbm.at[g_v.at[pl.ds(0, _B1)]], st1_v, sem_g).wait()

        @plsc.parallel_loop(0, _H1, step=16, unroll=4)
        def _(t):
            rv = r1_v[pl.ds(t, 16)]
            cv = c1_v[pl.ds(t, 16)] + plsc.load_gather(kb_v, [rv])
            out1_v[pl.ds(t, 16)] = plsc.load_gather(st1_v, [rv, cv])

        w1 = pltpu.async_copy(out1_v, out1_hbm.at[pl.ds(wid * _H1, _H1)], sem_w)

        decompose(out1_v, _H1, g_v, kb_v, 0)
        bufs = [st2a_v, st2b_v, st2c_v]
        gs = [None, None, None]
        for c in range(2):
            gs[c] = pltpu.async_copy(
                padt_hbm.at[g_v.at[pl.ds(c * _CH, _CH)]], bufs[c], sem_g)
        for c in range(_NCH):
            b = c % 3
            if c + 2 < _NCH:
                gs[(c + 2) % 3] = pltpu.async_copy(
                    padt_hbm.at[g_v.at[pl.ds((c + 2) * _CH, _CH)]],
                    bufs[(c + 2) % 3], sem_g)
            gs[b].wait()
            st = bufs[b]

            @plsc.parallel_loop(0, _CW, step=16, unroll=4)
            def _(t, c=c, st=st):
                rv = r2_v[pl.ds(t, 16)]
                cv = (c2_v[pl.ds(t, 16)]
                      + plsc.load_gather(kb_v, [rv + (c * _CH)]))
                out2_v[pl.ds(c * _CW + t, 16)] = plsc.load_gather(st, [rv, cv])

        w2 = pltpu.async_copy(out2_v, out2_hbm.at[pl.ds(wid * _H2, _H2)], sem_w)
        w1.wait()
        w2.wait()

    run = pl.kernel(
        body,
        out_type=(
            jax.ShapeDtypeStruct((_NW * _H1,), jnp.int32),
            jax.ShapeDtypeStruct((_NW * _H2,), jnp.int32),
        ),
        mesh=mesh,
        compiler_params=pltpu.CompilerParams(
            needs_layout_passes=False, use_tc_tiling_on_sc=True),
        scratch_types=(
            pltpu.VMEM((_B1,), jnp.int32),
            pltpu.VMEM((_B1, 128), jnp.int32),
            pltpu.VMEM((_CH, 128), jnp.int32),
            pltpu.VMEM((_CH, 128), jnp.int32),
            pltpu.VMEM((_CH, 128), jnp.int32),
            pltpu.VMEM((_H1,), jnp.int32),
            pltpu.VMEM((_H2,), jnp.int32),
            pltpu.VMEM((_H1,), jnp.int32),
            pltpu.VMEM((_H1,), jnp.int32),
            pltpu.VMEM((_CW,), jnp.int32),
            pltpu.VMEM((_CW,), jnp.int32),
            pltpu.VMEM((_H1,), jnp.int32),
            pltpu.VMEM((_H1,), jnp.int32),
            pltpu.SemaphoreType.DMA,
            pltpu.SemaphoreType.DMA,
            pltpu.SemaphoreType.DMA,
        ),
    )
    return run(padt, seeds, r1, c1, r2, c2)


_P1 = np.array([2, 15, 10, 0, 4, 21, 11, 20, 17, 12], dtype=np.int32)
_P2 = np.array([24, 1, 8, 9, 17, 2, 0, 10, 13, 11, 6, 23, 15, 20, 5,
                21, 12, 14, 18, 19, 4, 3, 16, 22, 7], dtype=np.int32)


def kernel(inputs, adj_info):
    padt = _pack_tc(adj_info)
    t1 = jnp.arange(_H1, dtype=jnp.int32)
    r1 = t1 // _S1
    c1 = jnp.asarray(_P1)[t1 % _S1]
    t2 = jnp.arange(_CW, dtype=jnp.int32)
    r2 = t2 // _D
    c2 = jnp.asarray(_P2)[t2 % _D]
    out1, out2 = _sc_sample(padt, inputs, r1, c1, r2, c2)
    support_sizes = jnp.array([1, _S1, _S1 * _D], dtype=jnp.int32)
    return inputs, out1, out2, support_sizes

# --- scband reference (transcript-rebuilt; emitter-appended) ---
"""Pipeline reference for scband-sample-23192823398594 (READ-ONLY COPY).

The authoritative reference and input builder live on the scoring server;
editing this copy changes nothing except your own understanding.
"""

import jax, jax.numpy as jnp
import numpy as np

LAYER_INFOS = [25, 10]
MAX_DEGREE = 25
N_NODES = 100000
BATCH = 4096


def setup_inputs(seed: int = 0) -> dict:
    key = jax.random.key(seed)
    k1, k2 = jax.random.split(key)
    inputs = jax.random.randint(k1, (BATCH,), 0, N_NODES, dtype=jnp.int32)
    # adj_info is the __init__ 'adj' argument: precomputed fixed-degree adjacency
    # table of shape [n_nodes, max_degree], entries are neighbor node ids.
    adj_info = jax.random.randint(k2, (N_NODES, MAX_DEGREE), 0, N_NODES, dtype=jnp.int32)
    return {"inputs": inputs, "adj_info": adj_info}


def reference(inputs, adj_info):
    # Faithful port of Sample.call. DynamicSample in the source is the local
    # UniformSample helper (standard GraphSAGE sampler):
    #   lookup adj rows for ids, shuffle columns (same permutation across rows,
    #   matching tf.transpose/tf.random.shuffle/tf.transpose), take first
    #   num_samples columns.
    def uniform_sample(ids, num_samples, key):
        adj_lists = jnp.take(adj_info, ids, axis=0)            # [n_ids, max_degree] gather
        perm = jax.random.permutation(key, adj_lists.shape[1])  # column shuffle
        adj_lists = adj_lists[:, perm]
        return adj_lists[:, :num_samples]                       # slice [-1, num_samples]

    key = jax.random.key(42)
    samples = [inputs]
    support_size = 1
    support_sizes = [support_size]
    n_layers = len(LAYER_INFOS)
    batch = inputs.shape[0]
    for k in range(n_layers):
        t = n_layers - k - 1
        support_size *= LAYER_INFOS[t]
        key, sk = jax.random.split(key)
        node = uniform_sample(samples[k], LAYER_INFOS[t], sk)
        samples.append(node.reshape(support_size * batch))
        support_sizes.append(support_size)
    # samples: [4096], [40960], [1024000]; support_sizes: [1, 10, 250]
    return tuple(samples) + (jnp.array(support_sizes, dtype=jnp.int32),)

if __name__ == "__main__":
    import jax
    _d = setup_inputs()
    print(jax.jit(kernel)(*tuple(_d.values())))

</pallas_src>

<mosaic_0001>
#map = affine_map<(d0, d1) -> (0, 0)>
#map1 = affine_map<(d0, d1) -> (0)>
module attributes {stable_mosaic.version = 14 : i64} {
  func.func @body(%arg0: i32, %arg1: i32, %arg2: memref<25000x128xi32, #tpu.memory_space<hbm>>, %arg3: memref<4096xi32, #tpu.memory_space<hbm>>, %arg4: memref<1280xi32, #tpu.memory_space<hbm>>, %arg5: memref<1280xi32, #tpu.memory_space<hbm>>, %arg6: memref<3200xi32, #tpu.memory_space<hbm>>, %arg7: memref<3200xi32, #tpu.memory_space<hbm>>, %arg8: memref<40960xi32, #tpu.memory_space<hbm>>, %arg9: memref<1024000xi32, #tpu.memory_space<hbm>>, %arg10: memref<128xi32, #tpu.memory_space<vmem>>, %arg11: memref<128x128xi32, #tpu.memory_space<vmem>>, %arg12: memref<128x128xi32, #tpu.memory_space<vmem>>, %arg13: memref<128x128xi32, #tpu.memory_space<vmem>>, %arg14: memref<128x128xi32, #tpu.memory_space<vmem>>, %arg15: memref<1280xi32, #tpu.memory_space<vmem>>, %arg16: memref<32000xi32, #tpu.memory_space<vmem>>, %arg17: memref<1280xi32, #tpu.memory_space<vmem>>, %arg18: memref<1280xi32, #tpu.memory_space<vmem>>, %arg19: memref<3200xi32, #tpu.memory_space<vmem>>, %arg20: memref<3200xi32, #tpu.memory_space<vmem>>, %arg21: memref<1280xi32, #tpu.memory_space<vmem>>, %arg22: memref<1280xi32, #tpu.memory_space<vmem>>, %arg23: memref<!tpu.dma_semaphore, #tpu.memory_space<semaphore_mem>>, %arg24: memref<!tpu.dma_semaphore, #tpu.memory_space<semaphore_mem>>, %arg25: memref<!tpu.dma_semaphore, #tpu.memory_space<semaphore_mem>>) attributes {dimension_semantics = [#tpu.dimension_semantics<core_parallel>, #tpu.dimension_semantics<subcore_parallel>], iteration_bounds = array<i64: 2, 16>, scalar_prefetch = 0 : i64, scratch_operands = 16 : i64, tpu.core_type = #tpu.core_type<sc_vector_subcore>, window_params = [{transform_indices = #map}, {transform_indices = #map1}, {transform_indices = #map1}, {transform_indices = #map1}, {transform_indices = #map1}, {transform_indices = #map1}, {transform_indices = #map1}, {transform_indices = #map1}]} {
    %mul3A = arith.constant 2 : i32
    %mul3A_0 = arith.muli %arg1, %mul3A : i32
    %add3A = arith.addi %mul3A_0, %arg0 : i32
    %mul3A_1 = arith.constant 128 : i32
    %mul3A_2 = arith.muli %add3A, %mul3A_1 : i32
    %dma_start3A = tpu.memref_slice %arg3[%mul3A_2] : memref<4096xi32, #tpu.memory_space<hbm>> -> memref<128xi32, #tpu.memory_space<hbm>>
    %dma_start3A_3 = tpu.memref_slice %arg3[%mul3A_2] : memref<4096xi32, #tpu.memory_space<hbm>> -> memref<128xi32, #tpu.memory_space<hbm>>
    tpu.enqueue_dma source(%dma_start3A_3 : memref<128xi32, #tpu.memory_space<hbm>>) target(%arg10 : memref<128xi32, #tpu.memory_space<vmem>>) target_semaphore(%arg23 : memref<!tpu.dma_semaphore, #tpu.memory_space<semaphore_mem>>)
    tpu.enqueue_dma source(%arg4 : memref<1280xi32, #tpu.memory_space<hbm>>) target(%arg17 : memref<1280xi32, #tpu.memory_space<vmem>>) target_semaphore(%arg23 : memref<!tpu.dma_semaphore, #tpu.memory_space<semaphore_mem>>)
    tpu.enqueue_dma source(%arg5 : memref<1280xi32, #tpu.memory_space<hbm>>) target(%arg18 : memref<1280xi32, #tpu.memory_space<vmem>>) target_semaphore(%arg23 : memref<!tpu.dma_semaphore, #tpu.memory_space<semaphore_mem>>)
    tpu.enqueue_dma source(%arg6 : memref<3200xi32, #tpu.memory_space<hbm>>) target(%arg19 : memref<3200xi32, #tpu.memory_space<vmem>>) target_semaphore(%arg23 : memref<!tpu.dma_semaphore, #tpu.memory_space<semaphore_mem>>)
    tpu.enqueue_dma source(%arg7 : memref<3200xi32, #tpu.memory_space<hbm>>) target(%arg20 : memref<3200xi32, #tpu.memory_space<vmem>>) target_semaphore(%arg23 : memref<!tpu.dma_semaphore, #tpu.memory_space<semaphore_mem>>)
    %dma_wait3A = tpu.memref_slice %arg3[%mul3A_2] : memref<4096xi32, #tpu.memory_space<hbm>> -> memref<128xi32, #tpu.memory_space<hbm>>
    %dma_wait3A_4 = tpu.memref_slice %arg3[%mul3A_2] : memref<4096xi32, #tpu.memory_space<hbm>> -> memref<128xi32, #tpu.memory_space<hbm>>
    tpu.wait_dma2 semaphore(%arg23 : memref<!tpu.dma_semaphore, #tpu.memory_space<semaphore_mem>>) src(%dma_wait3A_4 : memref<128xi32, #tpu.memory_space<hbm>>) dst(%arg10 : memref<128xi32, #tpu.memory_space<vmem>>)
    tpu.wait_dma2 semaphore(%arg23 : memref<!tpu.dma_semaphore, #tpu.memory_space<semaphore_mem>>) src(%arg4 : memref<1280xi32, #tpu.memory_space<hbm>>) dst(%arg17 : memref<1280xi32, #tpu.memory_space<vmem>>)
    tpu.wait_dma2 semaphore(%arg23 : memref<!tpu.dma_semaphore, #tpu.memory_space<semaphore_mem>>) src(%arg5 : memref<1280xi32, #tpu.memory_space<hbm>>) dst(%arg18 : memref<1280xi32, #tpu.memory_space<vmem>>)
    tpu.wait_dma2 semaphore(%arg23 : memref<!tpu.dma_semaphore, #tpu.memory_space<semaphore_mem>>) src(%arg6 : memref<3200xi32, #tpu.memory_space<hbm>>) dst(%arg19 : memref<3200xi32, #tpu.memory_space<vmem>>)
    tpu.wait_dma2 semaphore(%arg23 : memref<!tpu.dma_semaphore, #tpu.memory_space<semaphore_mem>>) src(%arg7 : memref<3200xi32, #tpu.memory_space<hbm>>) dst(%arg20 : memref<3200xi32, #tpu.memory_space<vmem>>)
    %parallel_loop3A = arith.constant 0 : i32
    %parallel_loop3A_5 = arith.constant 128 : i32
    %parallel_loop3A_6 = arith.constant 16 : i32
    scf.for %parallel_loop3A_165 = %parallel_loop3A to %parallel_loop3A_5 step %parallel_loop3A_6  : i32 {
      %parallel_loop3A_166 = arith.index_cast %parallel_loop3A_165 : i32 to index
      %parallel_loop3A_167 = tpu.vector_load %arg10[%parallel_loop3A_166] {strides = array<i32>} : memref<128xi32, #tpu.memory_space<vmem>>, vector<16xi32>,
      %parallel_loop3A_168 = arith.constant 2 : i32
      %parallel_loop3A_169 = vector.broadcast %parallel_loop3A_168 : i32 to vector<16xi32>
      %parallel_loop3A_170 = arith.shrsi %parallel_loop3A_167, %parallel_loop3A_169 : vector<16xi32>
      %parallel_loop3A_171 = arith.constant 0 : i32
      %parallel_loop3A_172 = vector.broadcast %parallel_loop3A_171 : i32 to vector<16xi32>
      %parallel_loop3A_173 = arith.addi %parallel_loop3A_170, %parallel_loop3A_172 : vector<16xi32>
      %parallel_loop3A_174 = arith.index_cast %parallel_loop3A_165 : i32 to index
      %parallel_loop3A_175 = tpu.vector_load %arg21[%parallel_loop3A_174] {strides = array<i32>} : memref<1280xi32, #tpu.memory_space<vmem>>, vector<16xi32>,
      tpu.vector_store %arg21[%parallel_loop3A_174], %parallel_loop3A_173 {strides = array<i32>} : memref<1280xi32, #tpu.memory_space<vmem>>, vector<16xi32>,
      %parallel_loop3A_176 = arith.constant 3 : i32
      %parallel_loop3A_177 = vector.broadcast %parallel_loop3A_176 : i32 to vector<16xi32>
      %parallel_loop3A_178 = arith.andi %parallel_loop3A_167, %parallel_loop3A_177 : vector<16xi32>
      %parallel_loop3A_179 = arith.constant 32 : i32
      %parallel_loop3A_180 = vector.broadcast %parallel_loop3A_179 : i32 to vector<16xi32>
      %parallel_loop3A_181 = arith.muli %parallel_loop3A_178, %parallel_loop3A_180 : vector<16xi32>
      %parallel_loop3A_182 = arith.index_cast %parallel_loop3A_165 : i32 to index
      %parallel_loop3A_183 = tpu.vector_load %arg22[%parallel_loop3A_182] {strides = array<i32>} : memref<1280xi32, #tpu.memory_space<vmem>>, vector<16xi32>,
      tpu.vector_store %arg22[%parallel_loop3A_182], %parallel_loop3A_181 {strides = array<i32>} : memref<1280xi32, #tpu.memory_space<vmem>>, vector<16xi32>,
    } {sc.loop_unroll_factor = 1 : i64, sc.parallel_access}
    %dma_start3A_7 = arith.constant 0 : i32
    %dma_start3A_8 = tpu.memref_slice %arg21[%dma_start3A_7] : memref<1280xi32, #tpu.memory_space<vmem>> -> memref<128xi32, #tpu.memory_space<vmem>>
    %dma_start3A_9 = arith.constant 0 : i32
    %dma_start3A_10 = arith.constant 0 : i32
    %dma_start3A_11 = tpu.memref_slice %arg2[%dma_start3A_9, %dma_start3A_10] : memref<25000x128xi32, #tpu.memory_space<hbm>> -> memref<25000x128xi32, #tpu.memory_space<hbm>>
    tpu.enqueue_indirect_dma source(%dma_start3A_11 : memref<25000x128xi32, #tpu.memory_space<hbm>>) target(%arg11 : memref<128x128xi32, #tpu.memory_space<vmem>>) offsets(%dma_start3A_8 : memref<128xi32, #tpu.memory_space<vmem>>) semaphore(%arg24 : memref<!tpu.dma_semaphore, #tpu.memory_space<semaphore_mem>>)
    %dma_wait3A_12 = arith.constant 0 : i32
    %dma_wait3A_13 = tpu.memref_slice %arg21[%dma_wait3A_12] : memref<1280xi32, #tpu.memory_space<vmem>> -> memref<128xi32, #tpu.memory_space<vmem>>
    %dma_wait3A_14 = arith.constant 0 : i32
    %dma_wait3A_15 = arith.constant 0 : i32
    %dma_wait3A_16 = tpu.memref_slice %arg2[%dma_wait3A_14, %dma_wait3A_15] : memref<25000x128xi32, #tpu.memory_space<hbm>> -> memref<25000x128xi32, #tpu.memory_space<hbm>>
    tpu.wait_indirect_dma semaphore(%arg24 : memref<!tpu.dma_semaphore, #tpu.memory_space<semaphore_mem>>) src(%dma_wait3A_16 : memref<25000x128xi32, #tpu.memory_space<hbm>>) dst(%arg11 : memref<128x128xi32, #tpu.memory_space<vmem>>)
    %parallel_loop3A_17 = arith.constant 0 : i32
    %parallel_loop3A_18 = arith.constant 1280 : i32
    %parallel_loop3A_19 = arith.constant 16 : i32
    scf.for %parallel_loop3A_165 = %parallel_loop3A_17 to %parallel_loop3A_18 step %parallel_loop3A_19  : i32 {
      %parallel_loop3A_166 = arith.index_cast %parallel_loop3A_165 : i32 to index
      %parallel_loop3A_167 = tpu.vector_load %arg17[%parallel_loop3A_166] {strides = array<i32>} : memref<1280xi32, #tpu.memory_space<vmem>>, vector<16xi32>,
      %parallel_loop3A_168 = arith.index_cast %parallel_loop3A_165 : i32 to index
      %parallel_loop3A_169 = tpu.vector_load %arg18[%parallel_loop3A_168] {strides = array<i32>} : memref<1280xi32, #tpu.memory_space<vmem>>, vector<16xi32>,
      %parallel_loop3A_170 = tpu.vector_load_idx %arg22[%parallel_loop3A_167] : memref<1280xi32, #tpu.memory_space<vmem>>[vector<16xi32>], vector<16xi32>,
      %parallel_loop3A_171 = arith.addi %parallel_loop3A_169, %parallel_loop3A_170 : vector<16xi32>
      %parallel_loop3A_172 = tpu.vector_load_idx %arg11[%parallel_loop3A_167, %parallel_loop3A_171] : memref<128x128xi32, #tpu.memory_space<vmem>>[vector<16xi32>, vector<16xi32>], vector<16xi32>,
      %parallel_loop3A_173 = arith.index_cast %parallel_loop3A_165 : i32 to index
      %parallel_loop3A_174 = tpu.vector_load %arg15[%parallel_loop3A_173] {strides = array<i32>} : memref<1280xi32, #tpu.memory_space<vmem>>, vector<16xi32>,
      tpu.vector_store %arg15[%parallel_loop3A_173], %parallel_loop3A_172 {strides = array<i32>} : memref<1280xi32, #tpu.memory_space<vmem>>, vector<16xi32>,
    } {sc.loop_unroll_factor = 4 : i64, sc.parallel_access}
    %mul3A_20 = arith.constant 1280 : i32
    %mul3A_21 = arith.muli %add3A, %mul3A_20 : i32
    %dma_start3A_22 = tpu.memref_slice %arg8[%mul3A_21] : memref<40960xi32, #tpu.memory_space<hbm>> -> memref<1280xi32, #tpu.memory_space<hbm>>
    %dma_start3A_23 = tpu.memref_slice %arg8[%mul3A_21] : memref<40960xi32, #tpu.memory_space<hbm>> -> memref<1280xi32, #tpu.memory_space<hbm>>
    tpu.enqueue_dma source(%arg15 : memref<1280xi32, #tpu.memory_space<vmem>>) target(%dma_start3A_23 : memref<1280xi32, #tpu.memory_space<hbm>>) target_semaphore(%arg25 : memref<!tpu.dma_semaphore, #tpu.memory_space<semaphore_mem>>)
    %parallel_loop3A_24 = arith.constant 0 : i32
    %parallel_loop3A_25 = arith.constant 1280 : i32
    %parallel_loop3A_26 = arith.constant 16 : i32
    scf.for %parallel_loop3A_165 = %parallel_loop3A_24 to %parallel_loop3A_25 step %parallel_loop3A_26  : i32 {
      %parallel_loop3A_166 = arith.index_cast %parallel_loop3A_165 : i32 to index
      %parallel_loop3A_167 = tpu.vector_load %arg15[%parallel_loop3A_166] {strides = array<i32>} : memref<1280xi32, #tpu.memory_space<vmem>>, vector<16xi32>,
      %parallel_loop3A_168 = arith.constant 2 : i32
      %parallel_loop3A_169 = vector.broadcast %parallel_loop3A_168 : i32 to vector<16xi32>
      %parallel_loop3A_170 = arith.shrsi %parallel_loop3A_167, %parallel_loop3A_169 : vector<16xi32>
      %parallel_loop3A_171 = arith.constant 0 : i32
      %parallel_loop3A_172 = vector.broadcast %parallel_loop3A_171 : i32 to vector<16xi32>
      %parallel_loop3A_173 = arith.addi %parallel_loop3A_170, %parallel_loop3A_172 : vector<16xi32>
      %parallel_loop3A_174 = arith.index_cast %parallel_loop3A_165 : i32 to index
      %parallel_loop3A_175 = tpu.vector_load %arg21[%parallel_loop3A_174] {strides = array<i32>} : memref<1280xi32, #tpu.memory_space<vmem>>, vector<16xi32>,
      tpu.vector_store %arg21[%parallel_loop3A_174], %parallel_loop3A_173 {strides = array<i32>} : memref<1280xi32, #tpu.memory_space<vmem>>, vector<16xi32>,
      %parallel_loop3A_176 = arith.constant 3 : i32
      %parallel_loop3A_177 = vector.broadcast %parallel_loop3A_176 : i32 to vector<16xi32>
      %parallel_loop3A_178 = arith.andi %parallel_loop3A_167, %parallel_loop3A_177 : vector<16xi32>
      %parallel_loop3A_179 = arith.constant 32 : i32
      %parallel_loop3A_180 = vector.broadcast %parallel_loop3A_179 : i32 to vector<16xi32>
      %parallel_loop3A_181 = arith.muli %parallel_loop3A_178, %parallel_loop3A_180 : vector<16xi32>
      %parallel_loop3A_182 = arith.index_cast %parallel_loop3A_165 : i32 to index
      %parallel_loop3A_183 = tpu.vector_load %arg22[%parallel_loop3A_182] {strides = array<i32>} : memref<1280xi32, #tpu.memory_space<vmem>>, vector<16xi32>,
      tpu.vector_store %arg22[%parallel_loop3A_182], %parallel_loop3A_181 {strides = array<i32>} : memref<1280xi32, #tpu.memory_space<vmem>>, vector<16xi32>,
    } {sc.loop_unroll_factor = 1 : i64, sc.parallel_access}
    %dma_start3A_27 = arith.constant 0 : i32
    %dma_start3A_28 = tpu.memref_slice %arg21[%dma_start3A_27] : memref<1280xi32, #tpu.memory_space<vmem>> -> memref<128xi32, #tpu.memory_space<vmem>>
    %dma_start3A_29 = arith.constant 0 : i32
    %dma_start3A_30 = arith.constant 0 : i32
    %dma_start3A_31 = tpu.memref_slice %arg2[%dma_start3A_29, %dma_start3A_30] : memref<25000x128xi32, #tpu.memory_space<hbm>> -> memref<25000x128xi32, #tpu.memory_space<hbm>>
    tpu.enqueue_indirect_dma source(%dma_start3A_31 : memref<25000x128xi32, #tpu.memory_space<hbm>>) target(%arg12 : memref<128x128xi32, #tpu.memory_space<vmem>>) offsets(%dma_start3A_28 : memref<128xi32, #tpu.memory_space<vmem>>) semaphore(%arg24 : memref<!tpu.dma_semaphore, #tpu.memory_space<semaphore_mem>>)
    %dma_start3A_32 = arith.constant 128 : i32
    %dma_start3A_33 = tpu.memref_slice %arg21[%dma_start3A_32] : memref<1280xi32, #tpu.memory_space<vmem>> -> memref<128xi32, #tpu.memory_space<vmem>>
    %dma_start3A_34 = arith.constant 0 : i32
    %dma_start3A_35 = arith.constant 0 : i32
    %dma_start3A_36 = tpu.memref_slice %arg2[%dma_start3A_34, %dma_start3A_35] : memref<25000x128xi32, #tpu.memory_space<hbm>> -> memref<25000x128xi32, #tpu.memory_space<hbm>>
    tpu.enqueue_indirect_dma source(%dma_start3A_36 : memref<25000x128xi32, #tpu.memory_space<hbm>>) target(%arg13 : memref<128x128xi32, #tpu.memory_space<vmem>>) offsets(%dma_start3A_33 : memref<128xi32, #tpu.memory_space<vmem>>) semaphore(%arg24 : memref<!tpu.dma_semaphore, #tpu.memory_space<semaphore_mem>>)
    %dma_start3A_37 = arith.constant 256 : i32
    %dma_start3A_38 = tpu.memref_slice %arg21[%dma_start3A_37] : memref<1280xi32, #tpu.memory_space<vmem>> -> memref<128xi32, #tpu.memory_space<vmem>>
    %dma_start3A_39 = arith.constant 0 : i32
    %dma_start3A_40 = arith.constant 0 : i32
    %dma_start3A_41 = tpu.memref_slice %arg2[%dma_start3A_39, %dma_start3A_40] : memref<25000x128xi32, #tpu.memory_space<hbm>> -> memref<25000x128xi32, #tpu.memory_space<hbm>>
    tpu.enqueue_indirect_dma source(%dma_start3A_41 : memref<25000x128xi32, #tpu.memory_space<hbm>>) target(%arg14 : memref<128x128xi32, #tpu.memory_space<vmem>>) offsets(%dma_start3A_38 : memref<128xi32, #tpu.memory_space<vmem>>) semaphore(%arg24 : memref<!tpu.dma_semaphore, #tpu.memory_space<semaphore_mem>>)
    %dma_wait3A_42 = arith.constant 0 : i32
    %dma_wait3A_43 = tpu.memref_slice %arg21[%dma_wait3A_42] : memref<1280xi32, #tpu.memory_space<vmem>> -> memref<128xi32, #tpu.memory_space<vmem>>
    %dma_wait3A_44 = arith.constant 0 : i32
    %dma_wait3A_45 = arith.constant 0 : i32
    %dma_wait3A_46 = tpu.memref_slice %arg2[%dma_wait3A_44, %dma_wait3A_45] : memref<25000x128xi32, #tpu.memory_space<hbm>> -> memref<25000x128xi32, #tpu.memory_space<hbm>>
    tpu.wait_indirect_dma semaphore(%arg24 : memref<!tpu.dma_semaphore, #tpu.memory_space<semaphore_mem>>) src(%dma_wait3A_46 : memref<25000x128xi32, #tpu.memory_space<hbm>>) dst(%arg12 : memref<128x128xi32, #tpu.memory_space<vmem>>)
    %parallel_loop3A_47 = arith.constant 0 : i32
    %parallel_loop3A_48 = arith.constant 3200 : i32
    %parallel_loop3A_49 = arith.constant 16 : i32
    scf.for %parallel_loop3A_165 = %parallel_loop3A_47 to %parallel_loop3A_48 step %parallel_loop3A_49  : i32 {
      %parallel_loop3A_166 = arith.index_cast %parallel_loop3A_165 : i32 to index
      %parallel_loop3A_167 = tpu.vector_load %arg19[%parallel_loop3A_166] {strides = array<i32>} : memref<3200xi32, #tpu.memory_space<vmem>>, vector<16xi32>,
      %parallel_loop3A_168 = arith.index_cast %parallel_loop3A_165 : i32 to index
      %parallel_loop3A_169 = tpu.vector_load %arg20[%parallel_loop3A_168] {strides = array<i32>} : memref<3200xi32, #tpu.memory_space<vmem>>, vector<16xi32>,
      %parallel_loop3A_170 = arith.constant 0 : i32
      %parallel_loop3A_171 = vector.broadcast %parallel_loop3A_170 : i32 to vector<16xi32>
      %parallel_loop3A_172 = arith.addi %parallel_loop3A_167, %parallel_loop3A_171 : vector<16xi32>
      %parallel_loop3A_173 = tpu.vector_load_idx %arg22[%parallel_loop3A_172] : memref<1280xi32, #tpu.memory_space<vmem>>[vector<16xi32>], vector<16xi32>,
      %parallel_loop3A_174 = arith.addi %parallel_loop3A_169, %parallel_loop3A_173 : vector<16xi32>
      %parallel_loop3A_175 = tpu.vector_load_idx %arg12[%parallel_loop3A_167, %parallel_loop3A_174] : memref<128x128xi32, #tpu.memory_space<vmem>>[vector<16xi32>, vector<16xi32>], vector<16xi32>,
      %parallel_loop3A_176 = arith.constant 0 : i32
      %parallel_loop3A_177 = arith.addi %parallel_loop3A_176, %parallel_loop3A_165 : i32
      %parallel_loop3A_178 = arith.index_cast %parallel_loop3A_177 : i32 to index
      %parallel_loop3A_179 = tpu.vector_load %arg16[%parallel_loop3A_178] {strides = array<i32>} : memref<32000xi32, #tpu.memory_space<vmem>>, vector<16xi32>,
      tpu.vector_store %arg16[%parallel_loop3A_178], %parallel_loop3A_175 {strides = array<i32>} : memref<32000xi32, #tpu.memory_space<vmem>>, vector<16xi32>,
    } {sc.loop_unroll_factor = 4 : i64, sc.parallel_access}
    %dma_start3A_50 = arith.constant 384 : i32
    %dma_start3A_51 = tpu.memref_slice %arg21[%dma_start3A_50] : memref<1280xi32, #tpu.memory_space<vmem>> -> memref<128xi32, #tpu.memory_space<vmem>>
    %dma_start3A_52 = arith.constant 0 : i32
    %dma_start3A_53 = arith.constant 0 : i32
    %dma_start3A_54 = tpu.memref_slice %arg2[%dma_start3A_52, %dma_start3A_53] : memref<25000x128xi32, #tpu.memory_space<hbm>> -> memref<25000x128xi32, #tpu.memory_space<hbm>>
    tpu.enqueue_indirect_dma source(%dma_start3A_54 : memref<25000x128xi32, #tpu.memory_space<hbm>>) target(%arg12 : memref<128x128xi32, #tpu.memory_space<vmem>>) offsets(%dma_start3A_51 : memref<128xi32, #tpu.memory_space<vmem>>) semaphore(%arg24 : memref<!tpu.dma_semaphore, #tpu.memory_space<semaphore_mem>>)
    %dma_wait3A_55 = arith.constant 128 : i32
    %dma_wait3A_56 = tpu.memref_slice %arg21[%dma_wait3A_55] : memref<1280xi32, #tpu.memory_space<vmem>> -> memref<128xi32, #tpu.memory_space<vmem>>
    %dma_wait3A_57 = arith.constant 0 : i32
    %dma_wait3A_58 = arith.constant 0 : i32
    %dma_wait3A_59 = tpu.memref_slice %arg2[%dma_wait3A_57, %dma_wait3A_58] : memref<25000x128xi32, #tpu.memory_space<hbm>> -> memref<25000x128xi32, #tpu.memory_space<hbm>>
    tpu.wait_indirect_dma semaphore(%arg24 : memref<!tpu.dma_semaphore, #tpu.memory_space<semaphore_mem>>) src(%dma_wait3A_59 : memref<25000x128xi32, #tpu.memory_space<hbm>>) dst(%arg13 : memref<128x128xi32, #tpu.memory_space<vmem>>)
    %parallel_loop3A_60 = arith.constant 0 : i32
    %parallel_loop3A_61 = arith.constant 3200 : i32
    %parallel_loop3A_62 = arith.constant 16 : i32
    scf.for %parallel_loop3A_165 = %parallel_loop3A_60 to %parallel_loop3A_61 step %parallel_loop3A_62  : i32 {
      %parallel_loop3A_166 = arith.index_cast %parallel_loop3A_165 : i32 to index
      %parallel_loop3A_167 = tpu.vector_load %arg19[%parallel_loop3A_166] {strides = array<i32>} : memref<3200xi32, #tpu.memory_space<vmem>>, vector<16xi32>,
      %parallel_loop3A_168 = arith.index_cast %parallel_loop3A_165 : i32 to index
      %parallel_loop3A_169 = tpu.vector_load %arg20[%parallel_loop3A_168] {strides = array<i32>} : memref<3200xi32, #tpu.memory_space<vmem>>, vector<16xi32>,
      %parallel_loop3A_170 = arith.constant 128 : i32
      %parallel_loop3A_171 = vector.broadcast %parallel_loop3A_170 : i32 to vector<16xi32>
      %parallel_loop3A_172 = arith.addi %parallel_loop3A_167, %parallel_loop3A_171 : vector<16xi32>
      %parallel_loop3A_173 = tpu.vector_load_idx %arg22[%parallel_loop3A_172] : memref<1280xi32, #tpu.memory_space<vmem>>[vector<16xi32>], vector<16xi32>,
      %parallel_loop3A_174 = arith.addi %parallel_loop3A_169, %parallel_loop3A_173 : vector<16xi32>
      %parallel_loop3A_175 = tpu.vector_load_idx %arg13[%parallel_loop3A_167, %parallel_loop3A_174] : memref<128x128xi32, #tpu.memory_space<vmem>>[vector<16xi32>, vector<16xi32>], vector<16xi32>,
      %parallel_loop3A_176 = arith.constant 3200 : i32
      %parallel_loop3A_177 = arith.addi %parallel_loop3A_176, %parallel_loop3A_165 : i32
      %parallel_loop3A_178 = arith.index_cast %parallel_loop3A_177 : i32 to index
      %parallel_loop3A_179 = tpu.vector_load %arg16[%parallel_loop3A_178] {strides = array<i32>} : memref<32000xi32, #tpu.memory_space<vmem>>, vector<16xi32>,
      tpu.vector_store %arg16[%parallel_loop3A_178], %parallel_loop3A_175 {strides = array<i32>} : memref<32000xi32, #tpu.memory_space<vmem>>, vector<16xi32>,
    } {sc.loop_unroll_factor = 4 : i64, sc.parallel_access}
    %dma_start3A_63 = arith.constant 512 : i32
    %dma_start3A_64 = tpu.memref_slice %arg21[%dma_start3A_63] : memref<1280xi32, #tpu.memory_space<vmem>> -> memref<128xi32, #tpu.memory_space<vmem>>
    %dma_start3A_65 = arith.constant 0 : i32
    %dma_start3A_66 = arith.constant 0 : i32
    %dma_start3A_67 = tpu.memref_slice %arg2[%dma_start3A_65, %dma_start3A_66] : memref<25000x128xi32, #tpu.memory_space<hbm>> -> memref<25000x128xi32, #tpu.memory_space<hbm>>
    tpu.enqueue_indirect_dma source(%dma_start3A_67 : memref<25000x128xi32, #tpu.memory_space<hbm>>) target(%arg13 : memref<128x128xi32, #tpu.memory_space<vmem>>) offsets(%dma_start3A_64 : memref<128xi32, #tpu.memory_space<vmem>>) semaphore(%arg24 : memref<!tpu.dma_semaphore, #tpu.memory_space<semaphore_mem>>)
    %dma_wait3A_68 = arith.constant 256 : i32
    %dma_wait3A_69 = tpu.memref_slice %arg21[%dma_wait3A_68] : memref<1280xi32, #tpu.memory_space<vmem>> -> memref<128xi32, #tpu.memory_space<vmem>>
    %dma_wait3A_70 = arith.constant 0 : i32
    %dma_wait3A_71 = arith.constant 0 : i32
    %dma_wait3A_72 = tpu.memref_slice %arg2[%dma_wait3A_70, %dma_wait3A_71] : memref<25000x128xi32, #tpu.memory_space<hbm>> -> memref<25000x128xi32, #tpu.memory_space<hbm>>
    tpu.wait_indirect_dma semaphore(%arg24 : memref<!tpu.dma_semaphore, #tpu.memory_space<semaphore_mem>>) src(%dma_wait3A_72 : memref<25000x128xi32, #tpu.memory_space<hbm>>) dst(%arg14 : memref<128x128xi32, #tpu.memory_space<vmem>>)
    %parallel_loop3A_73 = arith.constant 0 : i32
    %parallel_loop3A_74 = arith.constant 3200 : i32
    %parallel_loop3A_75 = arith.constant 16 : i32
    scf.for %parallel_loop3A_165 = %parallel_loop3A_73 to %parallel_loop3A_74 step %parallel_loop3A_75  : i32 {
      %parallel_loop3A_166 = arith.index_cast %parallel_loop3A_165 : i32 to index
      %parallel_loop3A_167 = tpu.vector_load %arg19[%parallel_loop3A_166] {strides = array<i32>} : memref<3200xi32, #tpu.memory_space<vmem>>, vector<16xi32>,
      %parallel_loop3A_168 = arith.index_cast %parallel_loop3A_165 : i32 to index
      %parallel_loop3A_169 = tpu.vector_load %arg20[%parallel_loop3A_168] {strides = array<i32>} : memref<3200xi32, #tpu.memory_space<vmem>>, vector<16xi32>,
      %parallel_loop3A_170 = arith.constant 256 : i32
      %parallel_loop3A_171 = vector.broadcast %parallel_loop3A_170 : i32 to vector<16xi32>
      %parallel_loop3A_172 = arith.addi %parallel_loop3A_167, %parallel_loop3A_171 : vector<16xi32>
      %parallel_loop3A_173 = tpu.vector_load_idx %arg22[%parallel_loop3A_172] : memref<1280xi32, #tpu.memory_space<vmem>>[vector<16xi32>], vector<16xi32>,
      %parallel_loop3A_174 = arith.addi %parallel_loop3A_169, %parallel_loop3A_173 : vector<16xi32>
      %parallel_loop3A_175 = tpu.vector_load_idx %arg14[%parallel_loop3A_167, %parallel_loop3A_174] : memref<128x128xi32, #tpu.memory_space<vmem>>[vector<16xi32>, vector<16xi32>], vector<16xi32>,
      %parallel_loop3A_176 = arith.constant 6400 : i32
      %parallel_loop3A_177 = arith.addi %parallel_loop3A_176, %parallel_loop3A_165 : i32
      %parallel_loop3A_178 = arith.index_cast %parallel_loop3A_177 : i32 to index
      %parallel_loop3A_179 = tpu.vector_load %arg16[%parallel_loop3A_178] {strides = array<i32>} : memref<32000xi32, #tpu.memory_space<vmem>>, vector<16xi32>,
      tpu.vector_store %arg16[%parallel_loop3A_178], %parallel_loop3A_175 {strides = array<i32>} : memref<32000xi32, #tpu.memory_space<vmem>>, vector<16xi32>,
    } {sc.loop_unroll_factor = 4 : i64, sc.parallel_access}
    %dma_start3A_76 = arith.constant 640 : i32
    %dma_start3A_77 = tpu.memref_slice %arg21[%dma_start3A_76] : memref<1280xi32, #tpu.memory_space<vmem>> -> memref<128xi32, #tpu.memory_space<vmem>>
    %dma_start3A_78 = arith.constant 0 : i32
    %dma_start3A_79 = arith.constant 0 : i32
    %dma_start3A_80 = tpu.memref_slice %arg2[%dma_start3A_78, %dma_start3A_79] : memref<25000x128xi32, #tpu.memory_space<hbm>> -> memref<25000x128xi32, #tpu.memory_space<hbm>>
    tpu.enqueue_indirect_dma source(%dma_start3A_80 : memref<25000x128xi32, #tpu.memory_space<hbm>>) target(%arg14 : memref<128x128xi32, #tpu.memory_space<vmem>>) offsets(%dma_start3A_77 : memref<128xi32, #tpu.memory_space<vmem>>) semaphore(%arg24 : memref<!tpu.dma_semaphore, #tpu.memory_space<semaphore_mem>>)
    %dma_wait3A_81 = arith.constant 384 : i32
    %dma_wait3A_82 = tpu.memref_slice %arg21[%dma_wait3A_81] : memref<1280xi32, #tpu.memory_space<vmem>> -> memref<128xi32, #tpu.memory_space<vmem>>
    %dma_wait3A_83 = arith.constant 0 : i32
    %dma_wait3A_84 = arith.constant 0 : i32
    %dma_wait3A_85 = tpu.memref_slice %arg2[%dma_wait3A_83, %dma_wait3A_84] : memref<25000x128xi32, #tpu.memory_space<hbm>> -> memref<25000x128xi32, #tpu.memory_space<hbm>>
    tpu.wait_indirect_dma semaphore(%arg24 : memref<!tpu.dma_semaphore, #tpu.memory_space<semaphore_mem>>) src(%dma_wait3A_85 : memref<25000x128xi32, #tpu.memory_space<hbm>>) dst(%arg12 : memref<128x128xi32, #tpu.memory_space<vmem>>)
    %parallel_loop3A_86 = arith.constant 0 : i32
    %parallel_loop3A_87 = arith.constant 3200 : i32
    %parallel_loop3A_88 = arith.constant 16 : i32
    scf.for %parallel_loop3A_165 = %parallel_loop3A_86 to %parallel_loop3A_87 step %parallel_loop3A_88  : i32 {
      %parallel_loop3A_166 = arith.index_cast %parallel_loop3A_165 : i32 to index
      %parallel_loop3A_167 = tpu.vector_load %arg19[%parallel_loop3A_166] {strides = array<i32>} : memref<3200xi32, #tpu.memory_space<vmem>>, vector<16xi32>,
      %parallel_loop3A_168 = arith.index_cast %parallel_loop3A_165 : i32 to index
      %parallel_loop3A_169 = tpu.vector_load %arg20[%parallel_loop3A_168] {strides = array<i32>} : memref<3200xi32, #tpu.memory_space<vmem>>, vector<16xi32>,
      %parallel_loop3A_170 = arith.constant 384 : i32
      %parallel_loop3A_171 = vector.broadcast %parallel_loop3A_170 : i32 to vector<16xi32>
      %parallel_loop3A_172 = arith.addi %parallel_loop3A_167, %parallel_loop3A_171 : vector<16xi32>
      %parallel_loop3A_173 = tpu.vector_load_idx %arg22[%parallel_loop3A_172] : memref<1280xi32, #tpu.memory_space<vmem>>[vector<16xi32>], vector<16xi32>,
      %parallel_loop3A_174 = arith.addi %parallel_loop3A_169, %parallel_loop3A_173 : vector<16xi32>
      %parallel_loop3A_175 = tpu.vector_load_idx %arg12[%parallel_loop3A_167, %parallel_loop3A_174] : memref<128x128xi32, #tpu.memory_space<vmem>>[vector<16xi32>, vector<16xi32>], vector<16xi32>,
      %parallel_loop3A_176 = arith.constant 9600 : i32
      %parallel_loop3A_177 = arith.addi %parallel_loop3A_176, %parallel_loop3A_165 : i32
      %parallel_loop3A_178 = arith.index_cast %parallel_loop3A_177 : i32 to index
      %parallel_loop3A_179 = tpu.vector_load %arg16[%parallel_loop3A_178] {strides = array<i32>} : memref<32000xi32, #tpu.memory_space<vmem>>, vector<16xi32>,
      tpu.vector_store %arg16[%parallel_loop3A_178], %parallel_loop3A_175 {strides = array<i32>} : memref<32000xi32, #tpu.memory_space<vmem>>, vector<16xi32>,
    } {sc.loop_unroll_factor = 4 : i64, sc.parallel_access}
    %dma_start3A_89 = arith.constant 768 : i32
    %dma_start3A_90 = tpu.memref_slice %arg21[%dma_start3A_89] : memref<1280xi32, #tpu.memory_space<vmem>> -> memref<128xi32, #tpu.memory_space<vmem>>
    %dma_start3A_91 = arith.constant 0 : i32
    %dma_start3A_92 = arith.constant 0 : i32
    %dma_start3A_93 = tpu.memref_slice %arg2[%dma_start3A_91, %dma_start3A_92] : memref<25000x128xi32, #tpu.memory_space<hbm>> -> memref<25000x128xi32, #tpu.memory_space<hbm>>
    tpu.enqueue_indirect_dma source(%dma_start3A_93 : memref<25000x128xi32, #tpu.memory_space<hbm>>) target(%arg12 : memref<128x128xi32, #tpu.memory_space<vmem>>) offsets(%dma_start3A_90 : memref<128xi32, #tpu.memory_space<vmem>>) semaphore(%arg24 : memref<!tpu.dma_semaphore, #tpu.memory_space<semaphore_mem>>)
    %dma_wait3A_94 = arith.constant 512 : i32
    %dma_wait3A_95 = tpu.memref_slice %arg21[%dma_wait3A_94] : memref<1280xi32, #tpu.memory_space<vmem>> -> memref<128xi32, #tpu.memory_space<vmem>>
    %dma_wait3A_96 = arith.constant 0 : i32
    %dma_wait3A_97 = arith.constant 0 : i32
    %dma_wait3A_98 = tpu.memref_slice %arg2[%dma_wait3A_96, %dma_wait3A_97] : memref<25000x128xi32, #tpu.memory_space<hbm>> -> memref<25000x128xi32, #tpu.memory_space<hbm>>
    tpu.wait_indirect_dma semaphore(%arg24 : memref<!tpu.dma_semaphore, #tpu.memory_space<semaphore_mem>>) src(%dma_wait3A_98 : memref<25000x128xi32, #tpu.memory_space<hbm>>) dst(%arg13 : memref<128x128xi32, #tpu.memory_space<vmem>>)
    %parallel_loop3A_99 = arith.constant 0 : i32
    %parallel_loop3A_100 = arith.constant 3200 : i32
    %parallel_loop3A_101 = arith.constant 16 : i32
    scf.for %parallel_loop3A_165 = %parallel_loop3A_99 to %parallel_loop3A_100 step %parallel_loop3A_101  : i32 {
      %parallel_loop3A_166 = arith.index_cast %parallel_loop3A_165 : i32 to index
      %parallel_loop3A_167 = tpu.vector_load %arg19[%parallel_loop3A_166] {strides = array<i32>} : memref<3200xi32, #tpu.memory_space<vmem>>, vector<16xi32>,
      %parallel_loop3A_168 = arith.index_cast %parallel_loop3A_165 : i32 to index
      %parallel_loop3A_169 = tpu.vector_load %arg20[%parallel_loop3A_168] {strides = array<i32>} : memref<3200xi32, #tpu.memory_space<vmem>>, vector<16xi32>,
      %parallel_loop3A_170 = arith.constant 512 : i32
      %parallel_loop3A_171 = vector.broadcast %parallel_loop3A_170 : i32 to vector<16xi32>
      %parallel_loop3A_172 = arith.addi %parallel_loop3A_167, %parallel_loop3A_171 : vector<16xi32>
      %parallel_loop3A_173 = tpu.vector_load_idx %arg22[%parallel_loop3A_172] : memref<1280xi32, #tpu.memory_space<vmem>>[vector<16xi32>], vector<16xi32>,
      %parallel_loop3A_174 = arith.addi %parallel_loop3A_169, %parallel_loop3A_173 : vector<16xi32>
      %parallel_loop3A_175 = tpu.vector_load_idx %arg13[%parallel_loop3A_167, %parallel_loop3A_174] : memref<128x128xi32, #tpu.memory_space<vmem>>[vector<16xi32>, vector<16xi32>], vector<16xi32>,
      %parallel_loop3A_176 = arith.constant 12800 : i32
      %parallel_loop3A_177 = arith.addi %parallel_loop3A_176, %parallel_loop3A_165 : i32
      %parallel_loop3A_178 = arith.index_cast %parallel_loop3A_177 : i32 to index
      %parallel_loop3A_179 = tpu.vector_load %arg16[%parallel_loop3A_178] {strides = array<i32>} : memref<32000xi32, #tpu.memory_space<vmem>>, vector<16xi32>,
      tpu.vector_store %arg16[%parallel_loop3A_178], %parallel_loop3A_175 {strides = array<i32>} : memref<32000xi32, #tpu.memory_space<vmem>>, vector<16xi32>,
    } {sc.loop_unroll_factor = 4 : i64, sc.parallel_access}
    %dma_start3A_102 = arith.constant 896 : i32
    %dma_start3A_103 = tpu.memref_slice %arg21[%dma_start3A_102] : memref<1280xi32, #tpu.memory_space<vmem>> -> memref<128xi32, #tpu.memory_space<vmem>>
    %dma_start3A_104 = arith.constant 0 : i32
    %dma_start3A_105 = arith.constant 0 : i32
    %dma_start3A_106 = tpu.memref_slice %arg2[%dma_start3A_104, %dma_start3A_105] : memref<25000x128xi32, #tpu.memory_space<hbm>> -> memref<25000x128xi32, #tpu.memory_space<hbm>>
    tpu.enqueue_indirect_dma source(%dma_start3A_106 : memref<25000x128xi32, #tpu.memory_space<hbm>>) target(%arg13 : memref<128x128xi32, #tpu.memory_space<vmem>>) offsets(%dma_start3A_103 : memref<128xi32, #tpu.memory_space<vmem>>) semaphore(%arg24 : memref<!tpu.dma_semaphore, #tpu.memory_space<semaphore_mem>>)
    %dma_wait3A_107 = arith.constant 640 : i32
    %dma_wait3A_108 = tpu.memref_slice %arg21[%dma_wait3A_107] : memref<1280xi32, #tpu.memory_space<vmem>> -> memref<128xi32, #tpu.memory_space<vmem>>
    %dma_wait3A_109 = arith.constant 0 : i32
    %dma_wait3A_110 = arith.constant 0 : i32
    %dma_wait3A_111 = tpu.memref_slice %arg2[%dma_wait3A_109, %dma_wait3A_110] : memref<25000x128xi32, #tpu.memory_space<hbm>> -> memref<25000x128xi32, #tpu.memory_space<hbm>>
    tpu.wait_indirect_dma semaphore(%arg24 : memref<!tpu.dma_semaphore, #tpu.memory_space<semaphore_mem>>) src(%dma_wait3A_111 : memref<25000x128xi32, #tpu.memory_space<hbm>>) dst(%arg14 : memref<128x128xi32, #tpu.memory_space<vmem>>)
    %parallel_loop3A_112 = arith.constant 0 : i32
    %parallel_loop3A_113 = arith.constant 3200 : i32
    %parallel_loop3A_114 = arith.constant 16 : i32
    scf.for %parallel_loop3A_165 = %parallel_loop3A_112 to %parallel_loop3A_113 step %parallel_loop3A_114  : i32 {
      %parallel_loop3A_166 = arith.index_cast %parallel_loop3A_165 : i32 to index
      %parallel_loop3A_167 = tpu.vector_load %arg19[%parallel_loop3A_166] {strides = array<i32>} : memref<3200xi32, #tpu.memory_space<vmem>>, vector<16xi32>,
      %parallel_loop3A_168 = arith.index_cast %parallel_loop3A_165 : i32 to index
      %parallel_loop3A_169 = tpu.vector_load %arg20[%parallel_loop3A_168] {strides = array<i32>} : memref<3200xi32, #tpu.memory_space<vmem>>, vector<16xi32>,
      %parallel_loop3A_170 = arith.constant 640 : i32
      %parallel_loop3A_171 = vector.broadcast %parallel_loop3A_170 : i32 to vector<16xi32>
      %parallel_loop3A_172 = arith.addi %parallel_loop3A_167, %parallel_loop3A_171 : vector<16xi32>
      %parallel_loop3A_173 = tpu.vector_load_idx %arg22[%parallel_loop3A_172] : memref<1280xi32, #tpu.memory_space<vmem>>[vector<16xi32>], vector<16xi32>,
      %parallel_loop3A_174 = arith.addi %parallel_loop3A_169, %parallel_loop3A_173 : vector<16xi32>
      %parallel_loop3A_175 = tpu.vector_load_idx %arg14[%parallel_loop3A_167, %parallel_loop3A_174] : memref<128x128xi32, #tpu.memory_space<vmem>>[vector<16xi32>, vector<16xi32>], vector<16xi32>,
      %parallel_loop3A_176 = arith.constant 16000 : i32
      %parallel_loop3A_177 = arith.addi %parallel_loop3A_176, %parallel_loop3A_165 : i32
      %parallel_loop3A_178 = arith.index_cast %parallel_loop3A_177 : i32 to index
      %parallel_loop3A_179 = tpu.vector_load %arg16[%parallel_loop3A_178] {strides = array<i32>} : memref<32000xi32, #tpu.memory_space<vmem>>, vector<16xi32>,
      tpu.vector_store %arg16[%parallel_loop3A_178], %parallel_loop3A_175 {strides = array<i32>} : memref<32000xi32, #tpu.memory_space<vmem>>, vector<16xi32>,
    } {sc.loop_unroll_factor = 4 : i64, sc.parallel_access}
    %dma_start3A_115 = arith.constant 1024 : i32
    %dma_start3A_116 = tpu.memref_slice %arg21[%dma_start3A_115] : memref<1280xi32, #tpu.memory_space<vmem>> -> memref<128xi32, #tpu.memory_space<vmem>>
    %dma_start3A_117 = arith.constant 0 : i32
    %dma_start3A_118 = arith.constant 0 : i32
    %dma_start3A_119 = tpu.memref_slice %arg2[%dma_start3A_117, %dma_start3A_118] : memref<25000x128xi32, #tpu.memory_space<hbm>> -> memref<25000x128xi32, #tpu.memory_space<hbm>>
    tpu.enqueue_indirect_dma source(%dma_start3A_119 : memref<25000x128xi32, #tpu.memory_space<hbm>>) target(%arg14 : memref<128x128xi32, #tpu.memory_space<vmem>>) offsets(%dma_start3A_116 : memref<128xi32, #tpu.memory_space<vmem>>) semaphore(%arg24 : memref<!tpu.dma_semaphore, #tpu.memory_space<semaphore_mem>>)
    %dma_wait3A_120 = arith.constant 768 : i32
    %dma_wait3A_121 = tpu.memref_slice %arg21[%dma_wait3A_120] : memref<1280xi32, #tpu.memory_space<vmem>> -> memref<128xi32, #tpu.memory_space<vmem>>
    %dma_wait3A_122 = arith.constant 0 : i32
    %dma_wait3A_123 = arith.constant 0 : i32
    %dma_wait3A_124 = tpu.memref_slice %arg2[%dma_wait3A_122, %dma_wait3A_123] : memref<25000x128xi32, #tpu.memory_space<hbm>> -> memref<25000x128xi32, #tpu.memory_space<hbm>>
    tpu.wait_indirect_dma semaphore(%arg24 : memref<!tpu.dma_semaphore, #tpu.memory_space<semaphore_mem>>) src(%dma_wait3A_124 : memref<25000x128xi32, #tpu.memory_space<hbm>>) dst(%arg12 : memref<128x128xi32, #tpu.memory_space<vmem>>)
    %parallel_loop3A_125 = arith.constant 0 : i32
    %parallel_loop3A_126 = arith.constant 3200 : i32
    %parallel_loop3A_127 = arith.constant 16 : i32
    scf.for %parallel_loop3A_165 = %parallel_loop3A_125 to %parallel_loop3A_126 step %parallel_loop3A_127  : i32 {
      %parallel_loop3A_166 = arith.index_cast %parallel_loop3A_165 : i32 to index
      %parallel_loop3A_167 = tpu.vector_load %arg19[%parallel_loop3A_166] {strides = array<i32>} : memref<3200xi32, #tpu.memory_space<vmem>>, vector<16xi32>,
      %parallel_loop3A_168 = arith.index_cast %parallel_loop3A_165 : i32 to index
      %parallel_loop3A_169 = tpu.vector_load %arg20[%parallel_loop3A_168] {strides = array<i32>} : memref<3200xi32, #tpu.memory_space<vmem>>, vector<16xi32>,
      %parallel_loop3A_170 = arith.constant 768 : i32
      %parallel_loop3A_171 = vector.broadcast %parallel_loop3A_170 : i32 to vector<16xi32>
      %parallel_loop3A_172 = arith.addi %parallel_loop3A_167, %parallel_loop3A_171 : vector<16xi32>
      %parallel_loop3A_173 = tpu.vector_load_idx %arg22[%parallel_loop3A_172] : memref<1280xi32, #tpu.memory_space<vmem>>[vector<16xi32>], vector<16xi32>,
      %parallel_loop3A_174 = arith.addi %parallel_loop3A_169, %parallel_loop3A_173 : vector<16xi32>
      %parallel_loop3A_175 = tpu.vector_load_idx %arg12[%parallel_loop3A_167, %parallel_loop3A_174] : memref<128x128xi32, #tpu.memory_space<vmem>>[vector<16xi32>, vector<16xi32>], vector<16xi32>,
      %parallel_loop3A_176 = arith.constant 19200 : i32
      %parallel_loop3A_177 = arith.addi %parallel_loop3A_176, %parallel_loop3A_165 : i32
      %parallel_loop3A_178 = arith.index_cast %parallel_loop3A_177 : i32 to index
      %parallel_loop3A_179 = tpu.vector_load %arg16[%parallel_loop3A_178] {strides = array<i32>} : memref<32000xi32, #tpu.memory_space<vmem>>, vector<16xi32>,
      tpu.vector_store %arg16[%parallel_loop3A_178], %parallel_loop3A_175 {strides = array<i32>} : memref<32000xi32, #tpu.memory_space<vmem>>, vector<16xi32>,
    } {sc.loop_unroll_factor = 4 : i64, sc.parallel_access}
    %dma_start3A_128 = arith.constant 1152 : i32
    %dma_start3A_129 = tpu.memref_slice %arg21[%dma_start3A_128] : memref<1280xi32, #tpu.memory_space<vmem>> -> memref<128xi32, #tpu.memory_space<vmem>>
    %dma_start3A_130 = arith.constant 0 : i32
    %dma_start3A_131 = arith.constant 0 : i32
    %dma_start3A_132 = tpu.memref_slice %arg2[%dma_start3A_130, %dma_start3A_131] : memref<25000x128xi32, #tpu.memory_space<hbm>> -> memref<25000x128xi32, #tpu.memory_space<hbm>>
    tpu.enqueue_indirect_dma source(%dma_start3A_132 : memref<25000x128xi32, #tpu.memory_space<hbm>>) target(%arg12 : memref<128x128xi32, #tpu.memory_space<vmem>>) offsets(%dma_start3A_129 : memref<128xi32, #tpu.memory_space<vmem>>) semaphore(%arg24 : memref<!tpu.dma_semaphore, #tpu.memory_space<semaphore_mem>>)
    %dma_wait3A_133 = arith.constant 896 : i32
    %dma_wait3A_134 = tpu.memref_slice %arg21[%dma_wait3A_133] : memref<1280xi32, #tpu.memory_space<vmem>> -> memref<128xi32, #tpu.memory_space<vmem>>
    %dma_wait3A_135 = arith.constant 0 : i32
    %dma_wait3A_136 = arith.constant 0 : i32
    %dma_wait3A_137 = tpu.memref_slice %arg2[%dma_wait3A_135, %dma_wait3A_136] : memref<25000x128xi32, #tpu.memory_space<hbm>> -> memref<25000x128xi32, #tpu.memory_space<hbm>>
    tpu.wait_indirect_dma semaphore(%arg24 : memref<!tpu.dma_semaphore, #tpu.memory_space<semaphore_mem>>) src(%dma_wait3A_137 : memref<25000x128xi32, #tpu.memory_space<hbm>>) dst(%arg13 : memref<128x128xi32, #tpu.memory_space<vmem>>)
    %parallel_loop3A_138 = arith.constant 0 : i32
    %parallel_loop3A_139 = arith.constant 3200 : i32
    %parallel_loop3A_140 = arith.constant 16 : i32
    scf.for %parallel_loop3A_165 = %parallel_loop3A_138 to %parallel_loop3A_139 step %parallel_loop3A_140  : i32 {
      %parallel_loop3A_166 = arith.index_cast %parallel_loop3A_165 : i32 to index
      %parallel_loop3A_167 = tpu.vector_load %arg19[%parallel_loop3A_166] {strides = array<i32>} : memref<3200xi32, #tpu.memory_space<vmem>>, vector<16xi32>,
      %parallel_loop3A_168 = arith.index_cast %parallel_loop3A_165 : i32 to index
      %parallel_loop3A_169 = tpu.vector_load %arg20[%parallel_loop3A_168] {strides = array<i32>} : memref<3200xi32, #tpu.memory_space<vmem>>, vector<16xi32>,
      %parallel_loop3A_170 = arith.constant 896 : i32
      %parallel_loop3A_171 = vector.broadcast %parallel_loop3A_170 : i32 to vector<16xi32>
      %parallel_loop3A_172 = arith.addi %parallel_loop3A_167, %parallel_loop3A_171 : vector<16xi32>
      %parallel_loop3A_173 = tpu.vector_load_idx %arg22[%parallel_loop3A_172] : memref<1280xi32, #tpu.memory_space<vmem>>[vector<16xi32>], vector<16xi32>,
      %parallel_loop3A_174 = arith.addi %parallel_loop3A_169, %parallel_loop3A_173 : vector<16xi32>
      %parallel_loop3A_175 = tpu.vector_load_idx %arg13[%parallel_loop3A_167, %parallel_loop3A_174] : memref<128x128xi32, #tpu.memory_space<vmem>>[vector<16xi32>, vector<16xi32>], vector<16xi32>,
      %parallel_loop3A_176 = arith.constant 22400 : i32
      %parallel_loop3A_177 = arith.addi %parallel_loop3A_176, %parallel_loop3A_165 : i32
      %parallel_loop3A_178 = arith.index_cast %parallel_loop3A_177 : i32 to index
      %parallel_loop3A_179 = tpu.vector_load %arg16[%parallel_loop3A_178] {strides = array<i32>} : memref<32000xi32, #tpu.memory_space<vmem>>, vector<16xi32>,
      tpu.vector_store %arg16[%parallel_loop3A_178], %parallel_loop3A_175 {strides = array<i32>} : memref<32000xi32, #tpu.memory_space<vmem>>, vector<16xi32>,
    } {sc.loop_unroll_factor = 4 : i64, sc.parallel_access}
    %dma_wait3A_141 = arith.constant 1024 : i32
    %dma_wait3A_142 = tpu.memref_slice %arg21[%dma_wait3A_141] : memref<1280xi32, #tpu.memory_space<vmem>> -> memref<128xi32, #tpu.memory_space<vmem>>
    %dma_wait3A_143 = arith.constant 0 : i32
    %dma_wait3A_144 = arith.constant 0 : i32
    %dma_wait3A_145 = tpu.memref_slice %arg2[%dma_wait3A_143, %dma_wait3A_144] : memref<25000x128xi32, #tpu.memory_space<hbm>> -> memref<25000x128xi32, #tpu.memory_space<hbm>>
    tpu.wait_indirect_dma semaphore(%arg24 : memref<!tpu.dma_semaphore, #tpu.memory_space<semaphore_mem>>) src(%dma_wait3A_145 : memref<25000x128xi32, #tpu.memory_space<hbm>>) dst(%arg14 : memref<128x128xi32, #tpu.memory_space<vmem>>)
    %parallel_loop3A_146 = arith.constant 0 : i32
    %parallel_loop3A_147 = arith.constant 3200 : i32
    %parallel_loop3A_148 = arith.constant 16 : i32
    scf.for %parallel_loop3A_165 = %parallel_loop3A_146 to %parallel_loop3A_147 step %parallel_loop3A_148  : i32 {
      %parallel_loop3A_166 = arith.index_cast %parallel_loop3A_165 : i32 to index
      %parallel_loop3A_167 = tpu.vector_load %arg19[%parallel_loop3A_166] {strides = array<i32>} : memref<3200xi32, #tpu.memory_space<vmem>>, vector<16xi32>,
      %parallel_loop3A_168 = arith.index_cast %parallel_loop3A_165 : i32 to index
      %parallel_loop3A_169 = tpu.vector_load %arg20[%parallel_loop3A_168] {strides = array<i32>} : memref<3200xi32, #tpu.memory_space<vmem>>, vector<16xi32>,
      %parallel_loop3A_170 = arith.constant 1024 : i32
      %parallel_loop3A_171 = vector.broadcast %parallel_loop3A_170 : i32 to vector<16xi32>
      %parallel_loop3A_172 = arith.addi %parallel_loop3A_167, %parallel_loop3A_171 : vector<16xi32>
      %parallel_loop3A_173 = tpu.vector_load_idx %arg22[%parallel_loop3A_172] : memref<1280xi32, #tpu.memory_space<vmem>>[vector<16xi32>], vector<16xi32>,
      %parallel_loop3A_174 = arith.addi %parallel_loop3A_169, %parallel_loop3A_173 : vector<16xi32>
      %parallel_loop3A_175 = tpu.vector_load_idx %arg14[%parallel_loop3A_167, %parallel_loop3A_174] : memref<128x128xi32, #tpu.memory_space<vmem>>[vector<16xi32>, vector<16xi32>], vector<16xi32>,
      %parallel_loop3A_176 = arith.constant 25600 : i32
      %parallel_loop3A_177 = arith.addi %parallel_loop3A_176, %parallel_loop3A_165 : i32
      %parallel_loop3A_178 = arith.index_cast %parallel_loop3A_177 : i32 to index
      %parallel_loop3A_179 = tpu.vector_load %arg16[%parallel_loop3A_178] {strides = array<i32>} : memref<32000xi32, #tpu.memory_space<vmem>>, vector<16xi32>,
      tpu.vector_store %arg16[%parallel_loop3A_178], %parallel_loop3A_175 {strides = array<i32>} : memref<32000xi32, #tpu.memory_space<vmem>>, vector<16xi32>,
    } {sc.loop_unroll_factor = 4 : i64, sc.parallel_access}
    %dma_wait3A_149 = arith.constant 1152 : i32
    %dma_wait3A_150 = tpu.memref_slice %arg21[%dma_wait3A_149] : memref<1280xi32, #tpu.memory_space<vmem>> -> memref<128xi32, #tpu.memory_space<vmem>>
    %dma_wait3A_151 = arith.constant 0 : i32
    %dma_wait3A_152 = arith.constant 0 : i32
    %dma_wait3A_153 = tpu.memref_slice %arg2[%dma_wait3A_151, %dma_wait3A_152] : memref<25000x128xi32, #tpu.memory_space<hbm>> -> memref<25000x128xi32, #tpu.memory_space<hbm>>
    tpu.wait_indirect_dma semaphore(%arg24 : memref<!tpu.dma_semaphore, #tpu.memory_space<semaphore_mem>>) src(%dma_wait3A_153 : memref<25000x128xi32, #tpu.memory_space<hbm>>) dst(%arg12 : memref<128x128xi32, #tpu.memory_space<vmem>>)
    %parallel_loop3A_154 = arith.constant 0 : i32
    %parallel_loop3A_155 = arith.constant 3200 : i32
    %parallel_loop3A_156 = arith.constant 16 : i32
    scf.for %parallel_loop3A_165 = %parallel_loop3A_154 to %parallel_loop3A_155 step %parallel_loop3A_156  : i32 {
      %parallel_loop3A_166 = arith.index_cast %parallel_loop3A_165 : i32 to index
      %parallel_loop3A_167 = tpu.vector_load %arg19[%parallel_loop3A_166] {strides = array<i32>} : memref<3200xi32, #tpu.memory_space<vmem>>, vector<16xi32>,
      %parallel_loop3A_168 = arith.index_cast %parallel_loop3A_165 : i32 to index
      %parallel_loop3A_169 = tpu.vector_load %arg20[%parallel_loop3A_168] {strides = array<i32>} : memref<3200xi32, #tpu.memory_space<vmem>>, vector<16xi32>,
      %parallel_loop3A_170 = arith.constant 1152 : i32
      %parallel_loop3A_171 = vector.broadcast %parallel_loop3A_170 : i32 to vector<16xi32>
      %parallel_loop3A_172 = arith.addi %parallel_loop3A_167, %parallel_loop3A_171 : vector<16xi32>
      %parallel_loop3A_173 = tpu.vector_load_idx %arg22[%parallel_loop3A_172] : memref<1280xi32, #tpu.memory_space<vmem>>[vector<16xi32>], vector<16xi32>,
      %parallel_loop3A_174 = arith.addi %parallel_loop3A_169, %parallel_loop3A_173 : vector<16xi32>
      %parallel_loop3A_175 = tpu.vector_load_idx %arg12[%parallel_loop3A_167, %parallel_loop3A_174] : memref<128x128xi32, #tpu.memory_space<vmem>>[vector<16xi32>, vector<16xi32>], vector<16xi32>,
      %parallel_loop3A_176 = arith.constant 28800 : i32
      %parallel_loop3A_177 = arith.addi %parallel_loop3A_176, %parallel_loop3A_165 : i32
      %parallel_loop3A_178 = arith.index_cast %parallel_loop3A_177 : i32 to index
      %parallel_loop3A_179 = tpu.vector_load %arg16[%parallel_loop3A_178] {strides = array<i32>} : memref<32000xi32, #tpu.memory_space<vmem>>, vector<16xi32>,
      tpu.vector_store %arg16[%parallel_loop3A_178], %parallel_loop3A_175 {strides = array<i32>} : memref<32000xi32, #tpu.memory_space<vmem>>, vector<16xi32>,
    } {sc.loop_unroll_factor = 4 : i64, sc.parallel_access}
    %mul3A_157 = arith.constant 32000 : i32
    %mul3A_158 = arith.muli %add3A, %mul3A_157 : i32
    %dma_start3A_159 = tpu.memref_slice %arg9[%mul3A_158] : memref<1024000xi32, #tpu.memory_space<hbm>> -> memref<32000xi32, #tpu.memory_space<hbm>>
    %dma_start3A_160 = tpu.memref_slice %arg9[%mul3A_158] : memref<1024000xi32, #tpu.memory_space<hbm>> -> memref<32000xi32, #tpu.memory_space<hbm>>
    tpu.enqueue_dma source(%arg16 : memref<32000xi32, #tpu.memory_space<vmem>>) target(%dma_start3A_160 : memref<32000xi32, #tpu.memory_space<hbm>>) target_semaphore(%arg25 : memref<!tpu.dma_semaphore, #tpu.memory_space<semaphore_mem>>)
    %dma_wait3A_161 = tpu.memref_slice %arg8[%mul3A_21] : memref<40960xi32, #tpu.memory_space<hbm>> -> memref<1280xi32, #tpu.memory_space<hbm>>
    %dma_wait3A_162 = tpu.memref_slice %arg8[%mul3A_21] : memref<40960xi32, #tpu.memory_space<hbm>> -> memref<1280xi32, #tpu.memory_space<hbm>>
    tpu.wait_dma2 semaphore(%arg25 : memref<!tpu.dma_semaphore, #tpu.memory_space<semaphore_mem>>) src(%arg15 : memref<1280xi32, #tpu.memory_space<vmem>>) dst(%dma_wait3A_162 : memref<1280xi32, #tpu.memory_space<hbm>>)
    %dma_wait3A_163 = tpu.memref_slice %arg9[%mul3A_158] : memref<1024000xi32, #tpu.memory_space<hbm>> -> memref<32000xi32, #tpu.memory_space<hbm>>
    %dma_wait3A_164 = tpu.memref_slice %arg9[%mul3A_158] : memref<1024000xi32, #tpu.memory_space<hbm>> -> memref<32000xi32, #tpu.memory_space<hbm>>
    tpu.wait_dma2 semaphore(%arg25 : memref<!tpu.dma_semaphore, #tpu.memory_space<semaphore_mem>>) src(%arg16 : memref<32000xi32, #tpu.memory_space<vmem>>) dst(%dma_wait3A_164 : memref<32000xi32, #tpu.memory_space<hbm>>)
    return
  }
}

module attributes {stable_mosaic.version = 14 : i64} {
  func.func @body(%arg0: i32, %arg1: memref<25x8192xi32, #tpu.memory_space<vmem>>, %arg2: memref<2048x128xi32, #tpu.memory_space<vmem>>) attributes {dimension_semantics = [#tpu.dimension_semantics<arbitrary>], iteration_bounds = array<i64: 13>, scalar_prefetch = 0 : i64, scratch_operands = 0 : i64, tpu.core_type = #tpu.core_type<tc>, window_params = [{transform_indices = @transform_0, window_bounds = array<i64: 25, 8192>}, {transform_indices = @transform_1, window_bounds = array<i64: 2048, 128>}]} {
    %get3A = arith.constant 0 : index
    %get3A_0 = arith.constant 0 : index
    %get3A_1 = vector.load %arg1[%get3A, %get3A_0] : memref<25x8192xi32, #tpu.memory_space<vmem>>, vector<25x8192xi32>
    %transpose3A = tpu.transpose %get3A_1, [1, 0] : vector<25x8192xi32> -> vector<8192x25xi32>
    %reshape3A = vector.shape_cast %transpose3A : vector<8192x25xi32> to vector<2048x4x25xi32>
    %jit3A = arith.constant 0 : i32
    %pad3A = vector.broadcast %jit3A : i32 to vector<2048x4x7xi32>
    %pad3A_2 = tpu.concatenate %reshape3A, %pad3A in 2 : vector<2048x4x25xi32>, vector<2048x4x7xi32> -> vector<2048x4x32xi32>
    %reshape3A_3 = vector.shape_cast %pad3A_2 : vector<2048x4x32xi32> to vector<2048x128xi32>
    %swap3A = arith.constant 0 : index
    %swap3A_4 = arith.constant 0 : index
    %swap3A_5 = vector.load %arg2[%swap3A, %swap3A_4] : memref<2048x128xi32, #tpu.memory_space<vmem>>, vector<2048x128xi32>
    tpu.vector_store %arg2[%swap3A, %swap3A_4], %reshape3A_3 {strides = array<i32>} : memref<2048x128xi32, #tpu.memory_space<vmem>>, vector<2048x128xi32>,
    return
  }
  func.func @transform_0(%arg0: i32) -> (i32, i32) {
    %c0_i32 = arith.constant 0 : i32
    %c0_i32_0 = arith.constant 0 : i32
    return %c0_i32, %arg0 : i32, i32
  }
  func.func @transform_1(%arg0: i32) -> (i32, i32) {
    %c0_i32 = arith.constant 0 : i32
    %c0_i32_0 = arith.constant 0 : i32
    return %arg0, %c0_i32 : i32, i32
  }
}

</mosaic_0001>

<sc_bundles>
// kernel: kernel.4.cloned.1.call-start
scs
__scs_entry_jumppad:
0x0: {  	(pc) =	sbr.rel $0x88, $3  }
0x1: {  	(tag) =	ssettag $0x0;
	lr =	simm.s32 $0x1  }
0x2: {  	[smem:$0x3F9F] =	sst lr;
	_ =	strace $0xD0000000  }
0x3: {  	_ = 	snop  }
0x4: {  	_ = 	snop  }
0x5: {  	_ = 	snop  }
0x6: {  	_ = 	snop  }
0x7: {  	_ = 	snop  }
__scs_overlays_trampoline_lowered:
0x8: {  	[smem:$0x3FAE] =	sst s0  }
0x9: {  	[smem:$0x3FAF] =	sst s1  }
0xa: {  	[smem:$0x3FB0] =	sst s2  }
0xb: {  	[smem:$0x3FB1] =	sst s3  }
0xc: {  	[smem:$0x3FB2] =	sst s4  }
0xd: {  	[smem:$0x3FB3] =	sst s5  }
0xe: {  	[smem:$0x3FB4] =	sst s6  }
0xf: {  	[smem:$0x3FB5] =	sst s7  }
0x10: {  	[smem:$0x3FB6] =	sst s8  }
0x11: {  	[smem:$0x3FB7] =	sst s9;
	s0 =	simm.s32 @!p0 $0x0  }
0x12: {  	s1 =	sld [smem:$0x3F9D];
	s0 =	simm.s32 @p0 $0x1  }
0x13: {  	[smem:$0x3FB8] =	sst s0;
	s0 =	simm.s32 @!p1 $0x0  }
0x14: {  	s2 =	sld [smem:$0x3F9C];
	s0 =	simm.s32 @p1 $0x1  }
0x15: {  	[smem:$0x3FB9] =	sst s0;
	s0 =	simm.s32 @!p2 $0x0  }
0x16: {  	s3 =	sld [smem:$0x3FDB];
	s0 =	simm.s32 @p2 $0x1  }
0x17: {  	s4 =	simm.s32 $0x1BF5;
	[smem:$0x3FBB] =	sst s0  }
0x18: {  	s0 =	sld [smem:$0x3F9E];
	_ =	swait.ge [sflag:s4], $0x0  }
0x19: {  	s7 =	sld [smem:$0x3F9F]  }
0x1a: {  	s8 =	sadd.s32 $0xFFFFE003, lr  }
0x1b: {  	s9 =	sadd.s32 $0xFFFFFEF7, lr;
	s5 =	simm.s32 $0xFFFFFFFF;
	p2 =	slt.u32 s8, $0xFFFFF086  }
0x1c: {  	p1 =	slt.u32 s9, $0xF7A;
	s5 =	simm.s32 @!p2 $0x0  }
0x1d: {  	s5 =	simm.s32 @p1 $0x1;
	p0 =	seq.s32 s7, s2  }
0x1e: {  	s7 =	smul.u32 @!p0 $0xF7A, s2;
	p2 =	seq.s32 @!p0 s5, $0x0  }
0x1f: {  	s9 =	smul.u32 $0xF7A, s1;
	s8 =	simm.s32 @!p0 $0x1BF5;
	p2 =	por !p2, p0  }
0x20: {  	[sflag:s8] =	ssyncset.s32 @!p0 $0xFFFFF086;
	s6 =	sadd.s32 @!p0 s3, s7;
	s7 =	simm.s32 @!p0 $0x108  }
0x21: {  	s3 =	sadd.s32 s3, s9;
	s6 =	sadd.s32 @!p0 $0x88, s6;
	s7 =	simm.s32 @p2 $0x1082  }
0x22: {  	[simem:s7], [sflag:s8] =	dma.local @!p0 [hbm:s6], $0xF7A  }
0x23: {  	s9 =	sor.u32 $0xD0000000, s2;
	s6 =	simm.s32 $0x108;
	_ =	swait.ge @!p0 [sflag:s8], $0x0  }
0x24: {  	s3 =	sadd.s32 $0x88, s3;
	s6 =	simm.s32 @!p1 $0x1082;
	[sflag:s4] =	ssyncset.s32 $0xFFFFF086  }
0x25: {  	[simem:s6], [sflag:s4] =	dma.local [hbm:s3], $0xF7A  }
0x26: {  	[smem:$0x3F9F] =	sst s1;
	(tag) =	ssettag s2;
	_ =	strace s9  }
0x27: {  	s1 =	sld [smem:$0x3FAF]  }
0x28: {  	s2 =	sld [smem:$0x3FB0]  }
0x29: {  	s4 =	sld [smem:$0x3FB2]  }
0x2a: {  	p0 =	seq.s32 s5, $0x0;
	s5 =	sld [smem:$0x3FB3]  }
0x2b: {  	s6 =	sld [smem:$0x3FB4]  }
0x2c: {  	s7 =	sld [smem:$0x3FB5]  }
0x2d: {  	s3 =	simm.s32 $0x108;
	s8 =	sld [smem:$0x3FB6]  }
0x2e: {  	s3 =	simm.s32 @!p0 $0x1082;
	s9 =	sld [smem:$0x3FB7]  }
0x2f: {  	lr =	sadd.s32 s0, s3;
	s0 =	sld [smem:$0x3FAE]  }
0x30: {  	s3 =	sld [smem:$0x3FB1]  }
0x31: {  	[smem:$0x3FBA] =	sst s10  }
0x32: {  	s10 =	sld [smem:$0x3FB8];
	_ =	sdelay $0x3  }
0x33: {  	p0 =	seq.s32 s10, $0x1;
	s10 =	sld [smem:$0x3FBA];
	_ =	sdelay $0x3  }
0x34: {  	[smem:$0x3FBA] =	sst s10  }
0x35: {  	s10 =	sld [smem:$0x3FB9];
	_ =	sdelay $0x3  }
0x36: {  	p1 =	seq.s32 s10, $0x1;
	s10 =	sld [smem:$0x3FBA];
	_ =	sdelay $0x3  }
0x37: {  	[smem:$0x3FBA] =	sst s10  }
0x38: {  	s10 =	sld [smem:$0x3FBB]  }
0x39: {  	_ = 	snop;
	(pc) =	sbr.ind lr, $3  }
0x3a: {  	_ = 	snop  }
0x3b: {  	_ = 	snop  }
0x3c: {  	p2 =	seq.s32 s10, $0x1;
	s10 =	sld [smem:$0x3FBA]  }
0x3d: {  	_ =	shalt  }
0x3e: {  	_ =	shalt  }
0x3f: {  	_ =	shalt  }
0x40: {  	_ =	shalt  }
0x41: {  	_ =	shalt  }
0x42: {  	_ =	shalt  }
0x43: {  	_ =	shalt  }
0x44: {  	_ =	shalt  }
0x45: {  	_ =	shalt  }
0x46: {  	_ =	shalt  }
0x47: {  	_ =	shalt  }
0x48: {  	_ =	shalt  }
0x49: {  	_ =	shalt  }
0x4a: {  	_ =	shalt  }
0x4b: {  	_ =	shalt  }
0x4c: {  	_ =	shalt  }
0x4d: {  	_ =	shalt  }
0x4e: {  	_ =	shalt  }
0x4f: {  	_ =	shalt  }
0x50: {  	_ =	shalt  }
0x51: {  	_ =	shalt  }
0x52: {  	_ =	shalt  }
0x53: {  	_ =	shalt  }
0x54: {  	_ =	shalt  }
0x55: {  	_ =	shalt  }
0x56: {  	_ =	shalt  }
0x57: {  	_ =	shalt  }
0x58: {  	_ =	shalt  }
0x59: {  	_ =	shalt  }
0x5a: {  	_ =	shalt  }
0x5b: {  	_ =	shalt  }
0x5c: {  	_ =	shalt  }
0x5d: {  	_ =	shalt  }
0x5e: {  	_ =	shalt  }
0x5f: {  	_ =	shalt  }
0x60: {  	_ =	shalt  }
0x61: {  	_ =	shalt  }
0x62: {  	_ =	shalt  }
0x63: {  	_ =	shalt  }
0x64: {  	_ =	shalt  }
0x65: {  	_ =	shalt  }
0x66: {  	_ =	shalt  }
0x67: {  	_ =	shalt  }
0x68: {  	_ =	shalt  }
0x69: {  	_ =	shalt  }
0x6a: {  	_ =	shalt  }
0x6b: {  	_ =	shalt  }
0x6c: {  	_ =	shalt  }
0x6d: {  	_ =	shalt  }
0x6e: {  	_ =	shalt  }
0x6f: {  	_ =	shalt  }
0x70: {  	_ =	shalt  }
0x71: {  	_ =	shalt  }
0x72: {  	_ =	shalt  }
0x73: {  	_ =	shalt  }
0x74: {  	_ =	shalt  }
0x75: {  	_ =	shalt  }
0x76: {  	_ =	shalt  }
0x77: {  	_ =	shalt  }
0x78: {  	_ =	shalt  }
0x79: {  	_ =	shalt  }
0x7a: {  	_ =	shalt  }
0x7b: {  	_ =	shalt  }
0x7c: {  	_ =	shalt  }
0x7d: {  	_ =	shalt  }
0x7e: {  	_ =	shalt  }
0x7f: {  	_ =	shalt  }
0x80: {  	_ =	shalt  }
0x81: {  	_ =	shalt  }
0x82: {  	_ =	shalt  }
0x83: {  	_ =	shalt  }
0x84: {  	_ =	shalt  }
0x85: {  	_ =	shalt  }
0x86: {  	_ =	shalt  }
0x87: {  	_ =	shalt  }
.Lfunc_end0:
.L_simem_size_0:
called_computation_lowered:
.L_overlay_start_0:
0x88: {  	s2 =	sld [smem:$0x3FD9]  }
0x89: {  	s3 =	sld [smem:$0x3FFE];
	_ =	sdelay $0x1  }
0x8a: {  	s1 =	srdreg.scid  }
0x8b: {  	s0 =	sand.u32 $0x1, s1  }
0x8c: {  	s14 =	sshll.u32 s0, $0xA;
	s2 =	sadd.s32 s3, s2  }
0x8d: {  	s2 =	sadd.s32 s2, s14  }
0x8e: {  	[smem:$0x3FC6] =	sst s2  }
0x8f: {  	_ = 	snop  }
0x90: {  	s2 =	sld [smem:$0x3FD0];
	_ =	sdelay $0x2  }
0x91: {  	s4 =	simm.s32 $0xA;
	s5 =	simm.s32 $0x10;
	s15 =	sld [smem:$0x3FC9]  }
0x92: {  	[smem:s5], [sflag:s4] =	dma.local [hbm:s2], $0x1  }
0x93: {  	_ =	swait.eq [sflag:s4], $0x1  }
0x94: {  	s16 =	sld [smem:$0x10];
	[sflag:s4] =	ssyncset.done $0x0  }
0x95: {  	s17 =	sld [smem:$0x11];
	[sflag:s4] =	ssyncadd.s32 $0xFFFFFFFF  }
0x96: {  	s18 =	sld [smem:$0x12];
	(tm) =	ssettm $0x1  }
0x97: {  	s6 =	sld [smem:$0x3FFB];
	_ =	sdelay $0x3  }
0x98: {  	_ =	strace s6  }
0x99: {  	s6 =	sld [smem:$0x3FFC];
	_ =	sdelay $0x3  }
0x9a: {  	_ =	strace s6  }
0x9b: {  	s6 =	sld [smem:$0x3FFD];
	_ =	sdelay $0x3  }
0x9c: {  	_ =	strace s6  }
0x9d: {  	_ =	strace $0x8FFFFFFF  }
0x9e: {  	s19 =	sld [smem:$0x3FDB];
	_ =	sdelay $0x1  }
0x9f: {  	s7 =	simm.s32 $_scs_section_size  }
0xa0: {  	s8 =	simm.s32 $_size__tile_overlayer_lowered;
	s9 =	simm.s32 $_tile_overlayer_lowered  }
0xa1: {  	s22 =	simm.s32 $0x1BFF;
	s21 =	sshll.u32 s9, $0x1;
	s6 =	sadd.s32 s7, s19  }
0xa2: {  	s10 =	simm.s32 $0x0;
	s20 =	sshll.u32 s8, $0x1;
	s8 =	sadd.s32 s21, s6  }
0xa3: {  	[timem:s10], [sflag:s22] =	dma.local [hbm:s8], s20  }
0xa4: {  	_ =	swait.ge [sflag:s22], s20  }
0xa5: {  	s7 =	ssub.s32 $0x0, s20;
	[sflag:s22] =	ssyncset.done $0x0  }
0xa6: {  	[sflag:s22] =	ssyncadd.s32 s7;
	_ =	sdelay $0x1  }
0xa7: {  	s23 =	simm.s32 $0x1B8B  }
0xa8: {  	_ =	swait.ge [sflag:s23], $0x1  }
0xa9: {  	[sflag:s23] =	ssyncset.done $0x0  }
0xaa: {  	s25 =	simm.s32 $0x1B8E;
	s24 =	sld [smem:$0x3FFE];
	[sflag:s23] =	ssyncadd.s32 $0xFFFFFFFF  }
0xab: {  	s26 =	simm.s32 $execute0_lowered;
	[smem:$0x3FD2] =	sst s25  }
0xac: {  	s8 =	sshll.u32 s26, $0x1;
	_ =	strace $0x80000046;
	[dreg:$0x1] =	wrdreg $0xFFFFFFFF  }
0xad: {  	s28 =	simm.s32 $_size_execute0_lowered;
	s6 =	sadd.s32 s6, s8;
	[dreg:$0x0] =	wrdreg $0x0  }
0xae: {  	s8 =	sshll.u32 s28, $0x1;
	[dreg:$0x2] =	wrdreg s6  }
0xaf: {  	[dreg:$0x3] =	wrdreg s8  }
0xb0: {  	[dreg:$0x4] =	wrdreg $0xC0  }
0xb1: {  	_ =	task [dreg:s10], $0x5FFFF  }
0xb2: {  	[dreg:$0x1] =	wrdreg $0xFFFFFFFF  }
0xb3: {  	[dreg:$0x0] =	wrdreg $0x60  }
0xb4: {  	[dreg:$0x2] =	wrdreg s24  }
0xb5: {  	[dreg:$0x3] =	wrdreg s15  }
0xb6: {  	[dreg:$0x4] =	wrdreg s16  }
0xb7: {  	[dreg:$0x5] =	wrdreg s17  }
0xb8: {  	[dreg:$0x6] =	wrdreg s18  }
0xb9: {  	[dreg:$0x7] =	wrdreg $0x9  }
0xba: {  	_ =	task.clear_ibuf [dreg:s10], $0x8FFFF;
	_ =	strace $0x90000046  }
0xbb: {  	s29 =	simm.s32 $0x9;
	_ =	strace $0x80000048  }
0xbc: {  	_ =	swait.ge [sflag:s29], $0x1  }
0xbd: {  	[sflag:s29] =	ssyncadd.s32 $0xFFFFFFFF  }
0xbe: {  	_ =	strace $0x90000048  }
0xbf: {  	_ =	sfence  }
0xc0: {  	s30 =	sld [smem:$0x0];
	_ =	sdelay $0x2  }
0xc1: {  	s31 =	sshll.u32 s1, $0xD;
	s1 =	sshrl.u32 s1, $0x2  }
0xc2: {  	s3 =	sand.u32 $0x4000, s31;
	s1 =	sadd.s32 s1, s30  }
0xc3: {  	s0 =	sor.u32 s3, s0;
	s1 =	sshll.u32 s1, $0x11  }
0xc4: {  	s0 =	sor.u32 s1, s0  }
0xc5: {  	s0 =	sadd.s32 $0x8F2B, s0  }
0xc6: {  	[sflag:s0] =	ssyncadd.remote.s32 $0x1  }
0xc7: {  	_ =	sfence.sel $0xFFFF  }
0xc8: {  	[dreg:$0x0] =	wrdreg $0xFFFFFFFF;
	(pc) =	sbr.abs _section_cstart, $3  }
0xc9: {  	[dreg:$0x1] =	wrdreg $0xFFFFFFFF  }
0xca: {  	_ =	task.clear_ibuf [dreg:s10], $0x2FFFF;
	_ =	strace $0x9FFFFFFF  }
0xcb: {  	(tm) =	ssettm $0x7FFFFFFF  }
tec
execute0_lowered:
.L_overlay_start_1:
0x0: {  	(tag) =	ssettag $0x1  }
0x1: {  	s1 =	rddreg [dreg:$0x0]  }
0x2: {  	s0 =	rddreg [dreg:$0x1]  }
0x3: {  	s2 =	rddreg [dreg:$0x3]  }
0x4: {  	s3 =	rddreg [dreg:$0x4]  }
0x5: {  	s4 =	simm.s32 $0x0;
	s5 =	srdreg.scid;
	s6 =	stileid.u32  }
0x6: {  	s16 =	simm.s32 $0x1;
	s17 =	simm.s32 $0x1A580;
	s18 =	simm.s32 $0x80  }
0x7: {  	s19 =	simm.s32 $0x2;
	s20 =	simm.s32 $0x1AA80;
	s21 =	simm.s32 $0x4080  }
0x8: {  	s23 =	simm.s32 $0x8080;
	s25 =	simm.s32 $0xC080;
	s30 =	simm.s32 $0x1A880  }
0x9: {  	s31 =	simm.s32 $0x1A900;
	[smem:$0x7FF] =	sst s4;
	s7 =	sand.u32 $0x1, s5  }
0xa: {  	s6 =	sshll.u32 s6, $0x1;
	s5 =	sadd.s32 $0x61C00, s1;
	_ =	strace $0x80000047  }
0xb: {  	s8 =	sor.u32 s7, s6;
	s6 =	sadd.s32 $0x61E00, s1;
	s9 =	ssub.s32 $0x2, s7  }
0xc: {  	s7 =	sadd.s32 $0x62000, s1;
	s10 =	smul.u32 $0xA0, s8;
	s11 =	sshrl.u32 s9, $0x1  }
0xd: {  	s12 =	sshll.u32 s8, $0x4;
	s13 =	smul.u32 $0xFA0, s8;
	s11 =	ssub.s32 s9, s11  }
0xe: {  	s8 =	sadd.s32 s0, s12;
	s0 =	simm.s32 $0x1A980;
	s12 =	simm.s32 $0x3  }
0xf: {  	s9 =	sadd.s32 s2, s10;
	s10 =	sadd.s32 s3, s13;
	s11 =	smax.u32 s11, $0x1  }
0x10: {  	s3 =	simm.s32 $0x1AA00;
	s2 =	simm.s32 $0x10580;
	s13 =	simm.s32 $0x0  }
.LBB2_1:
0x11: {  	[tilespmem:s4], [sflag:$0x1] =	stream.linear.gather [hbm4b:s8+s4], $0x80, $0x38;
	[tilespmem:$0x1AF80] =	vst v63  }
0x12: {  	s14 =	simm.s32 $0x18280  }
0x13: {  	[tilespmem:s14], [sflag:$0x1] =	stream.linear.gather [hbm4b:s5+s4], $0x500, $0x38;
	[tilespmem:$0x1AF80] =	vst v63  }
0x14: {  	s26 =	simm.s32 $0x18780  }
0x15: {  	[tilespmem:s26], [sflag:$0x1] =	stream.linear.gather [hbm4b:s6+s4], $0x500, $0x38;
	[tilespmem:$0x1AF80] =	vst v63  }
0x16: {  	s28 =	rddreg [dreg:$0x2];
	s15 =	simm.s32 $0x18C80  }
0x17: {  	[tilespmem:s15], [sflag:$0x1] =	stream.linear.gather [hbm4b:s28+s4], $0xC80, $0x38;
	[tilespmem:$0x1AF80] =	vst v63  }
0x18: {  	s29 =	simm.s32 $0x19900  }
0x19: {  	[tilespmem:s29], [sflag:$0x1] =	stream.linear.gather [hbm4b:s7+s4], $0xC80, $0x38;
	[tilespmem:$0x1AF80] =	vst v63  }
0x1a: {  	_ =	swait.ge [sflag:s16], $0x80  }
0x1b: {  	[sflag:s16] =	ssyncset.done $0x0  }
0x1c: {  	[sflag:s16] =	ssyncadd.s32 $0xFFFFFF80  }
0x1d: {  	_ =	swait.ge [sflag:s16], $0x500  }
0x1e: {  	[sflag:s16] =	ssyncset.done $0x0  }
0x1f: {  	[sflag:s16] =	ssyncadd.s32 $0xFFFFFB00  }
0x20: {  	_ =	swait.ge [sflag:s16], $0x500  }
0x21: {  	[sflag:s16] =	ssyncset.done $0x0  }
0x22: {  	[sflag:s16] =	ssyncadd.s32 $0xFFFFFB00  }
0x23: {  	_ =	swait.ge [sflag:s16], $0xC80  }
0x24: {  	[sflag:s16] =	ssyncset.done $0x0  }
0x25: {  	[sflag:s16] =	ssyncadd.s32 $0xFFFFF380  }
0x26: {  	_ =	swait.ge [sflag:s16], $0xC80  }
0x27: {  	[sflag:s16] =	ssyncset.done $0x0  }
0x28: {  	[sflag:s16] =	ssyncadd.s32 $0xFFFFF380  }
0x29: {  	v0 =	vld [tilespmem:s4+$0x0];
	_ =	sdelay $0x4  }
0x2a: {  	s15 =	simm.s32 $0x10;
	v1 =	vshra.s32 v0, $0x2;
	v2 =	vshll.u32 v0, $0x5  }
0x2b: {  	s22 =	simm.s32 $0x10;
	s24 =	simm.s32 $0x1A580;
	s14 =	simm.s32 $0x1AA80;
	v0 =	vld [tilespmem:s15+$0x0];
	[tilespmem:s17+$0x0] =	vst v1;
	v1 =	vand.u32 $0x60, v2  }
.LBB2_2:
0x2c: {  	s22 =	sadd.s32 $0x10, s22  }
0x2d: {  	[tilespmem:s14+$0x0] =	vst v1;
	s14 =	sadd.s32 $0x10, s14;
	s24 =	sadd.s32 $0x10, s24;
	p0 =	slt.u32 s22, $0x70  }
.Ltmp0:
0x2e: {  	(pc) =	sbr.rel @p0 .LBB2_2-.Ltmp0, $3  }
0x2f: {  	_ =	sdelay $0x1  }
0x30: {  	s15 =	sadd.s32 $0x10, s15;
	v1 =	vshra.s32 v0, $0x2;
	v2 =	vshll.u32 v0, $0x5  }
0x31: {  	v0 =	vld [tilespmem:s15+$0x0];
	[tilespmem:s24+$0x0] =	vst v1;
	v1 =	vand.u32 $0x60, v2  }
0x32: {  	_ =	sdelay $0x3  }
0x33: {  	[tilespmem:s14+$0x0] =	vst v1;
	s15 =	sadd.s32 $0x10, s24;
	v1 =	vshra.s32 v0, $0x2;
	v0 =	vshll.u32 v0, $0x5  }
0x34: {  	s24 =	sadd.s32 $0x10, s14;
	[tilespmem:s15+$0x0] =	vst v1;
	v0 =	vand.u32 $0x60, v0  }
0x35: {  	[tilespmem:s24+$0x0] =	vst v0  }
0x36: {  	[tilespmem:s18], [sflag:$0x2] =	stream.indirect.gather [hbm4b:s1+s18], $0x80, s17, s18, $0xb8;
	[tilespmem:$0x1AF80] =	vst v63  }
0x37: {  	_ =	swait.ge [sflag:s19], $0x4000  }
0x38: {  	[sflag:s19] =	ssyncset.done $0x0  }
0x39: {  	s26 =	simm.s32 $0x182A0;
	[sflag:s19] =	ssyncadd.s32 $0xFFFFC000  }
0x3a: {  	v0 =	vld [tilespmem:s26+$0x10];
	_ =	sdelay $0x2  }
0x3b: {  	v1 =	vld [tilespmem:s26+$0xFFFFFFF0]  }
0x3c: {  	v2 =	vld [tilespmem:s26+$0xFFFFFFE0]  }
0x3d: {  	s28 =	simm.s32 $0x187A0;
	v3 =	vld [tilespmem:s26+$0x0]  }
0x3e: {  	v5 =	vld [tilespmem:s28+$0x10]  }
0x3f: {  	v9 =	vld [tilespmem:s28+$0xFFFFFFE0]  }
0x40: {  	s29 =	simm.s32 $0x182E0;
	v4 =	vld.idx.msk [tilespmem:v0+s20+$0x0], $0xffff  }
0x41: {  	v14 =	vld [tilespmem:s29+$0x10]  }
0x42: {  	v10 =	vld [tilespmem:s28+$0xFFFFFFF0]  }
0x43: {  	v11 =	vld [tilespmem:s29+$0xFFFFFFF0]  }
0x44: {  	v12 =	vld [tilespmem:s29+$0xFFFFFFE0]  }
0x45: {  	v13 =	vld [tilespmem:s29+$0x0];
	v4 =	vadd.s32 v5, v4  }
0x46: {  	v6 =	vld.idx.msk [tilespmem:v1+s20+$0x0], $0xffff;
	v0 =	vshll.u32 v0, $0x7;
	v5 =	vand.u32 $0xFFFFFF80, v4  }
0x47: {  	v7 =	vld.idx.msk [tilespmem:v2+s20+$0x0], $0xffff;
	v4 =	vand.u32 $0x7F, v4;
	v0 =	vadd.s32 v0, v5  }
0x48: {  	v8 =	vld.idx.msk [tilespmem:v3+s20+$0x0], $0xffff;
	v0 =	vor.u32 v4, v0  }
0x49: {  	v4 =	vld [tilespmem:s28+$0x0];
	_ =	sdelay $0x1  }
0x4a: {  	s15 =	simm.s32 $0x187E0;
	v16 =	vld.idx.msk [tilespmem:v14+s20+$0x0], $0xffff  }
0x4b: {  	v2 =	vshll.u32 v2, $0x7;
	v14 =	vshll.u32 v14, $0x7;
	v6 =	vadd.s32 v10, v6;
	v10 =	vld [tilespmem:s15+$0x10]  }
0x4c: {  	v15 =	vld.idx.msk [tilespmem:v0+s18+$0x0], $0xffff;
	v0 =	vshll.u32 v1, $0x7;
	v1 =	vshll.u32 v3, $0x7;
	v3 =	vadd.s32 v9, v7  }
0x4d: {  	v5 =	vld.idx.msk [tilespmem:v11+s20+$0x0], $0xffff;
	v9 =	vand.u32 $0xFFFFFF80, v6;
	v17 =	vadd.s32 v4, v8;
	v6 =	vand.u32 $0x7F, v6  }
0x4e: {  	v8 =	vld.idx.msk [tilespmem:v12+s20+$0x0], $0xffff;
	v7 =	vand.u32 $0xFFFFFF80, v3;
	v3 =	vand.u32 $0x7F, v3;
	v4 =	vand.u32 $0xFFFFFF80, v17  }
0x4f: {  	v0 =	vadd.s32 v0, v9;
	v9 =	vld [tilespmem:s15+$0xFFFFFFE0];
	v2 =	vadd.s32 v2, v7;
	v18 =	vadd.s32 v1, v4  }
0x50: {  	v7 =	vld.idx.msk [tilespmem:v13+s20+$0x0], $0xffff;
	v1 =	vshll.u32 v11, $0x7;
	v4 =	vor.u32 v3, v2;
	v3 =	vand.u32 $0x7F, v17  }
0x51: {  	s14 =	simm.s32 $0x100A0;
	v2 =	vor.u32 v6, v0;
	v6 =	vshll.u32 v12, $0x7;
	v12 =	vadd.s32 v10, v16;
	v10 =	vld [tilespmem:s15+$0xFFFFFFF0]  }
0x52: {  	s22 =	simm.s32 $0x100A0;
	s24 =	simm.s32 $0x40;
	s26 =	simm.s32 $0x18320;
	v11 =	vld [tilespmem:s15+$0x0];
	v0 =	vshll.u32 v13, $0x7;
	v3 =	vor.u32 v3, v18;
	v13 =	vand.u32 $0xFFFFFF80, v12;
	[tilespmem:s14+$0x10] =	vst v15  }
.LBB2_4:
0x53: {  	v15 =	vld [tilespmem:s26+$0x10];
	s24 =	sadd.s32 $0x40, s24;
	v12 =	vand.u32 $0x7F, v12;
	v13 =	vadd.s32 v14, v13  }
0x54: {  	v14 =	vld [tilespmem:s26+$0xFFFFFFF0];
	p0 =	slt.u32 s24, $0x4C0;
	v12 =	vor.u32 v12, v13  }
0x55: {  	v13 =	vld [tilespmem:s26+$0x0];
	v8 =	vadd.s32 v9, v8  }
0x56: {  	v9 =	vld [tilespmem:s26+$0xFFFFFFE0];
	v16 =	vand.u32 $0xFFFFFF80, v8;
	v8 =	vand.u32 $0x7F, v8;
	v5 =	vadd.s32 v10, v5  }
0x57: {  	v6 =	vadd.s32 v6, v16;
	v10 =	vand.u32 $0xFFFFFF80, v5;
	v7 =	vadd.s32 v11, v7;
	v11 =	vld.idx.msk [tilespmem:v4+s18+$0x0], $0xffff  }
0x58: {  	v5 =	vand.u32 $0x7F, v5;
	v10 =	vadd.s32 v1, v10;
	v4 =	vand.u32 $0xFFFFFF80, v7;
	v16 =	vld.idx.msk [tilespmem:v2+s18+$0x0], $0xffff  }
0x59: {  	v7 =	vand.u32 $0x7F, v7;
	v1 =	vshll.u32 v14, $0x7;
	v17 =	vadd.s32 v0, v4;
	v12 =	vld.idx.msk [tilespmem:v12+s18+$0x0], $0xffff  }
0x5a: {  	v4 =	vor.u32 v8, v6;
	v2 =	vor.u32 v5, v10;
	v0 =	vshll.u32 v13, $0x7;
	v10 =	vld.idx.msk [tilespmem:v3+s18+$0x0], $0xffff  }
0x5b: {  	s15 =	sadd.s32 $0x40, s15;
	v3 =	vor.u32 v7, v17;
	v6 =	vshll.u32 v9, $0x7;
	v18 =	vld.idx.msk [tilespmem:v15+s20+$0x0], $0xffff  }
0x5c: {  	v17 =	vld [tilespmem:s15+$0x10]  }
0x5d: {  	v5 =	vld.idx.msk [tilespmem:v14+s20+$0x0], $0xffff;
	[tilespmem:s14+$0xFFFFFFE0] =	vst v11  }
.Ltmp1:
0x5e: {  	s14 =	sadd.s32 $0x40, s14;
	v8 =	vld.idx.msk [tilespmem:v9+s20+$0x0], $0xffff;
	[tilespmem:s22+$0xFFFFFFF0] =	vst v16;
	(pc) =	sbr.rel @p0 .LBB2_4-.Ltmp1, $4  }
0x5f: {  	v7 =	vld.idx.msk [tilespmem:v13+s20+$0x0], $0xffff;
	[tilespmem:s14+$0x10] =	vst v12  }
0x60: {  	v9 =	vld [tilespmem:s15+$0xFFFFFFE0];
	[tilespmem:s22+$0x0] =	vst v10;
	s22 =	smov.u32 s14  }
0x61: {  	v10 =	vld [tilespmem:s15+$0xFFFFFFF0];
	v12 =	vadd.s32 v17, v18  }
0x62: {  	s26 =	sadd.s32 $0x40, s26;
	v14 =	vshll.u32 v15, $0x7;
	v11 =	vld [tilespmem:s15+$0x0];
	v13 =	vand.u32 $0xFFFFFF80, v12  }
0x63: {  	_ =	sdelay $0x1  }
0x64: {  	v12 =	vand.u32 $0x7F, v12;
	v13 =	vadd.s32 v14, v13;
	v8 =	vadd.s32 v9, v8  }
0x65: {  	v60 =	vor.u32 v12, v13;
	v61 =	vand.u32 $0xFFFFFF80, v8  }
0x66: {  	v8 =	vand.u32 $0x7F, v8;
	v5 =	vadd.s32 v10, v5;
	v6 =	vadd.s32 v6, v61  }
0x67: {  	v10 =	vand.u32 $0xFFFFFF80, v5;
	v7 =	vadd.s32 v11, v7;
	v5 =	vand.u32 $0x7F, v5  }
0x68: {  	v1 =	vadd.s32 v1, v10;
	v62 =	vand.u32 $0xFFFFFF80, v7;
	v6 =	vor.u32 v8, v6  }
0x69: {  	v4 =	vld.idx.msk [tilespmem:v4+s18+$0x0], $0xffff;
	v7 =	vand.u32 $0x7F, v7;
	v0 =	vadd.s32 v0, v62;
	v1 =	vor.u32 v5, v1  }
0x6a: {  	v2 =	vld.idx.msk [tilespmem:v2+s18+$0x0], $0xffff;
	v0 =	vor.u32 v7, v0  }
0x6b: {  	v3 =	vld.idx.msk [tilespmem:v3+s18+$0x0], $0xffff  }
0x6c: {  	v63 =	vld.idx.msk [tilespmem:v60+s18+$0x0], $0xffff  }
0x6d: {  	v6 =	vld.idx.msk [tilespmem:v6+s18+$0x0], $0xffff  }
0x6e: {  	[tilespmem:s14+$0xFFFFFFE0] =	vst v4;
	v1 =	vld.idx.msk [tilespmem:v1+s18+$0x0], $0xffff  }
0x6f: {  	[tilespmem:s22+$0xFFFFFFF0] =	vst v2;
	v0 =	vld.idx.msk [tilespmem:v0+s18+$0x0], $0xffff  }
0x70: {  	s28 =	sadd.s32 $0x40, s14;
	[tilespmem:s22+$0x0] =	vst v3  }
0x71: {  	[tilespmem:s28+$0x10] =	vst v63  }
0x72: {  	[tilespmem:s28+$0xFFFFFFE0] =	vst v6  }
0x73: {  	[tilespmem:s28+$0xFFFFFFF0] =	vst v1  }
0x74: {  	s29 =	simm.s32 $0x10080;
	[tilespmem:s28+$0x0] =	vst v0  }
0x75: {  	[hbm4b:s9+s4] =	stream.linear.scatter [tilespmem:s29], [sflag:$0x3], $0x500, $0x38;
	[tilespmem:$0x1AF80] =	vst v63  }
0x76: {  	v0 =	vld [tilespmem:s29+$0x0];
	_ =	sdelay $0x4  }
0x77: {  	s14 =	simm.s32 $0x1A580;
	s22 =	simm.s32 $0x10090;
	v1 =	vshra.s32 v0, $0x2;
	v2 =	vshll.u32 v0, $0x5  }
0x78: {  	s15 =	simm.s32 $0x1AA80;
	s24 =	simm.s32 $0x10;
	v0 =	vld [tilespmem:s22+$0x0];
	[tilespmem:s14+$0x0] =	vst v1;
	v1 =	vand.u32 $0x60, v2  }
.LBB2_6:
0x79: {  	s24 =	sadd.s32 $0x10, s24  }
0x7a: {  	[tilespmem:s15+$0x0] =	vst v1;
	s15 =	sadd.s32 $0x10, s15;
	s14 =	sadd.s32 $0x10, s14;
	p0 =	slt.u32 s24, $0x4F0  }
.Ltmp2:
0x7b: {  	(pc) =	sbr.rel @p0 .LBB2_6-.Ltmp2, $3  }
0x7c: {  	_ =	sdelay $0x1  }
0x7d: {  	s22 =	sadd.s32 $0x10, s22;
	v1 =	vshra.s32 v0, $0x2;
	v2 =	vshll.u32 v0, $0x5  }
0x7e: {  	v0 =	vld [tilespmem:s22+$0x0];
	[tilespmem:s14+$0x0] =	vst v1;
	v1 =	vand.u32 $0x60, v2  }
0x7f: {  	_ =	sdelay $0x3  }
0x80: {  	[tilespmem:s15+$0x0] =	vst v1;
	s14 =	sadd.s32 $0x10, s14;
	v1 =	vshra.s32 v0, $0x2;
	v0 =	vshll.u32 v0, $0x5  }
0x81: {  	s29 =	sadd.s32 $0x10, s15;
	[tilespmem:s14+$0x0] =	vst v1;
	v0 =	vand.u32 $0x60, v0  }
0x82: {  	[tilespmem:s29+$0x0] =	vst v0  }
0x83: {  	[tilespmem:s21], [sflag:$0x2] =	stream.indirect.gather [hbm4b:s1+s18], $0x80, s17, s18, $0xb8;
	[tilespmem:$0x1AF80] =	vst v63  }
0x84: {  	s22 =	simm.s32 $0x1A600  }
0x85: {  	[tilespmem:s23], [sflag:$0x2] =	stream.indirect.gather [hbm4b:s1+s18], $0x80, s22, s18, $0xb8;
	[tilespmem:$0x1AF80] =	vst v63  }
0x86: {  	s24 =	simm.s32 $0x1A680  }
0x87: {  	[tilespmem:s25], [sflag:$0x2] =	stream.indirect.gather [hbm4b:s1+s18], $0x80, s24, s18, $0xb8;
	[tilespmem:$0x1AF80] =	vst v63  }
0x88: {  	_ =	swait.ge [sflag:s19], $0x4000  }
0x89: {  	[sflag:s19] =	ssyncset.done $0x0  }
0x8a: {  	s26 =	simm.s32 $0x18CA0;
	[sflag:s19] =	ssyncadd.s32 $0xFFFFC000  }
0x8b: {  	v0 =	vld [tilespmem:s26+$0x10];
	_ =	sdelay $0x2  }
0x8c: {  	v1 =	vld [tilespmem:s26+$0xFFFFFFF0]  }
0x8d: {  	v2 =	vld [tilespmem:s26+$0xFFFFFFE0]  }
0x8e: {  	s28 =	simm.s32 $0x19920;
	v3 =	vld [tilespmem:s26+$0x0]  }
0x8f: {  	v5 =	vld [tilespmem:s28+$0x10]  }
0x90: {  	v9 =	vld [tilespmem:s28+$0xFFFFFFE0]  }
0x91: {  	s29 =	simm.s32 $0x18CE0;
	v4 =	vld.idx.msk [tilespmem:v0+s20+$0x0], $0xffff  }
0x92: {  	v14 =	vld [tilespmem:s29+$0x10]  }
0x93: {  	v10 =	vld [tilespmem:s28+$0xFFFFFFF0]  }
0x94: {  	v11 =	vld [tilespmem:s29+$0xFFFFFFF0]  }
0x95: {  	v12 =	vld [tilespmem:s29+$0xFFFFFFE0]  }
0x96: {  	v13 =	vld [tilespmem:s29+$0x0];
	v4 =	vadd.s32 v5, v4  }
0x97: {  	v6 =	vld.idx.msk [tilespmem:v1+s20+$0x0], $0xffff;
	v0 =	vshll.u32 v0, $0x7;
	v5 =	vand.u32 $0xFFFFFF80, v4  }
0x98: {  	v7 =	vld.idx.msk [tilespmem:v2+s20+$0x0], $0xffff;
	v4 =	vand.u32 $0x7F, v4;
	v0 =	vadd.s32 v0, v5  }
0x99: {  	v8 =	vld.idx.msk [tilespmem:v3+s20+$0x0], $0xffff;
	v0 =	vor.u32 v4, v0  }
0x9a: {  	v4 =	vld [tilespmem:s28+$0x0];
	_ =	sdelay $0x1  }
0x9b: {  	s15 =	simm.s32 $0x19960;
	v16 =	vld.idx.msk [tilespmem:v14+s20+$0x0], $0xffff  }
0x9c: {  	v2 =	vshll.u32 v2, $0x7;
	v14 =	vshll.u32 v14, $0x7;
	v6 =	vadd.s32 v10, v6;
	v10 =	vld [tilespmem:s15+$0x10]  }
0x9d: {  	v15 =	vld.idx.msk [tilespmem:v0+s21+$0x0], $0xffff;
	v0 =	vshll.u32 v1, $0x7;
	v1 =	vshll.u32 v3, $0x7;
	v3 =	vadd.s32 v9, v7  }
0x9e: {  	v5 =	vld.idx.msk [tilespmem:v11+s20+$0x0], $0xffff;
	v9 =	vand.u32 $0xFFFFFF80, v6;
	v17 =	vadd.s32 v4, v8;
	v6 =	vand.u32 $0x7F, v6  }
0x9f: {  	v8 =	vld.idx.msk [tilespmem:v12+s20+$0x0], $0xffff;
	v7 =	vand.u32 $0xFFFFFF80, v3;
	v3 =	vand.u32 $0x7F, v3;
	v4 =	vand.u32 $0xFFFFFF80, v17  }
0xa0: {  	v0 =	vadd.s32 v0, v9;
	v9 =	vld [tilespmem:s15+$0xFFFFFFE0];
	v2 =	vadd.s32 v2, v7;
	v18 =	vadd.s32 v1, v4  }
0xa1: {  	v7 =	vld.idx.msk [tilespmem:v13+s20+$0x0], $0xffff;
	v1 =	vshll.u32 v11, $0x7;
	v4 =	vor.u32 v3, v2;
	v3 =	vand.u32 $0x7F, v17  }
0xa2: {  	s14 =	simm.s32 $0x105A0;
	v2 =	vor.u32 v6, v0;
	v6 =	vshll.u32 v12, $0x7;
	v12 =	vadd.s32 v10, v16;
	v10 =	vld [tilespmem:s15+$0xFFFFFFF0]  }
0xa3: {  	s22 =	simm.s32 $0x105A0;
	s24 =	simm.s32 $0x40;
	s26 =	simm.s32 $0x18D20;
	v11 =	vld [tilespmem:s15+$0x0];
	v0 =	vshll.u32 v13, $0x7;
	v3 =	vor.u32 v3, v18;
	v13 =	vand.u32 $0xFFFFFF80, v12;
	[tilespmem:s14+$0x10] =	vst v15  }
.LBB2_8:
0xa4: {  	v15 =	vld [tilespmem:s26+$0x10];
	s24 =	sadd.s32 $0x40, s24;
	v12 =	vand.u32 $0x7F, v12;
	v13 =	vadd.s32 v14, v13  }
0xa5: {  	v14 =	vld [tilespmem:s26+$0xFFFFFFF0];
	p0 =	slt.u32 s24, $0xC40;
	v12 =	vor.u32 v12, v13  }
0xa6: {  	v13 =	vld [tilespmem:s26+$0x0];
	v8 =	vadd.s32 v9, v8  }
0xa7: {  	v9 =	vld [tilespmem:s26+$0xFFFFFFE0];
	v16 =	vand.u32 $0xFFFFFF80, v8;
	v8 =	vand.u32 $0x7F, v8;
	v5 =	vadd.s32 v10, v5  }
0xa8: {  	v6 =	vadd.s32 v6, v16;
	v10 =	vand.u32 $0xFFFFFF80, v5;
	v7 =	vadd.s32 v11, v7;
	v11 =	vld.idx.msk [tilespmem:v4+s21+$0x0], $0xffff  }
0xa9: {  	v5 =	vand.u32 $0x7F, v5;
	v10 =	vadd.s32 v1, v10;
	v4 =	vand.u32 $0xFFFFFF80, v7;
	v16 =	vld.idx.msk [tilespmem:v2+s21+$0x0], $0xffff  }
0xaa: {  	v7 =	vand.u32 $0x7F, v7;
	v1 =	vshll.u32 v14, $0x7;
	v17 =	vadd.s32 v0, v4;
	v12 =	vld.idx.msk [tilespmem:v12+s21+$0x0], $0xffff  }
0xab: {  	v4 =	vor.u32 v8, v6;
	v2 =	vor.u32 v5, v10;
	v0 =	vshll.u32 v13, $0x7;
	v10 =	vld.idx.msk [tilespmem:v3+s21+$0x0], $0xffff  }
0xac: {  	s15 =	sadd.s32 $0x40, s15;
	v3 =	vor.u32 v7, v17;
	v6 =	vshll.u32 v9, $0x7;
	v18 =	vld.idx.msk [tilespmem:v15+s20+$0x0], $0xffff  }
0xad: {  	v17 =	vld [tilespmem:s15+$0x10]  }
0xae: {  	v5 =	vld.idx.msk [tilespmem:v14+s20+$0x0], $0xffff;
	[tilespmem:s14+$0xFFFFFFE0] =	vst v11  }
.Ltmp3:
0xaf: {  	s14 =	sadd.s32 $0x40, s14;
	v8 =	vld.idx.msk [tilespmem:v9+s20+$0x0], $0xffff;
	[tilespmem:s22+$0xFFFFFFF0] =	vst v16;
	(pc) =	sbr.rel @p0 .LBB2_8-.Ltmp3, $4  }
0xb0: {  	v7 =	vld.idx.msk [tilespmem:v13+s20+$0x0], $0xffff;
	[tilespmem:s14+$0x10] =	vst v12  }
0xb1: {  	v9 =	vld [tilespmem:s15+$0xFFFFFFE0];
	[tilespmem:s22+$0x0] =	vst v10;
	s22 =	smov.u32 s14  }
0xb2: {  	v10 =	vld [tilespmem:s15+$0xFFFFFFF0];
	v12 =	vadd.s32 v17, v18  }
0xb3: {  	s26 =	sadd.s32 $0x40, s26;
	v14 =	vshll.u32 v15, $0x7;
	v11 =	vld [tilespmem:s15+$0x0];
	v13 =	vand.u32 $0xFFFFFF80, v12  }
0xb4: {  	_ =	sdelay $0x1  }
0xb5: {  	v12 =	vand.u32 $0x7F, v12;
	v13 =	vadd.s32 v14, v13;
	v8 =	vadd.s32 v9, v8  }
0xb6: {  	v9 =	vor.u32 v12, v13;
	v12 =	vand.u32 $0xFFFFFF80, v8  }
0xb7: {  	v8 =	vand.u32 $0x7F, v8;
	v5 =	vadd.s32 v10, v5;
	v6 =	vadd.s32 v6, v12  }
0xb8: {  	v10 =	vand.u32 $0xFFFFFF80, v5;
	v7 =	vadd.s32 v11, v7;
	v5 =	vand.u32 $0x7F, v5  }
0xb9: {  	v1 =	vadd.s32 v1, v10;
	v10 =	vand.u32 $0xFFFFFF80, v7;
	v6 =	vor.u32 v8, v6  }
0xba: {  	v4 =	vld.idx.msk [tilespmem:v4+s21+$0x0], $0xffff;
	v7 =	vand.u32 $0x7F, v7;
	v0 =	vadd.s32 v0, v10;
	v1 =	vor.u32 v5, v1  }
0xbb: {  	v2 =	vld.idx.msk [tilespmem:v2+s21+$0x0], $0xffff;
	v0 =	vor.u32 v7, v0  }
0xbc: {  	v3 =	vld.idx.msk [tilespmem:v3+s21+$0x0], $0xffff  }
0xbd: {  	v5 =	vld.idx.msk [tilespmem:v9+s21+$0x0], $0xffff  }
0xbe: {  	v6 =	vld.idx.msk [tilespmem:v6+s21+$0x0], $0xffff  }
0xbf: {  	[tilespmem:s14+$0xFFFFFFE0] =	vst v4;
	v1 =	vld.idx.msk [tilespmem:v1+s21+$0x0], $0xffff  }
0xc0: {  	[tilespmem:s22+$0xFFFFFFF0] =	vst v2;
	v0 =	vld.idx.msk [tilespmem:v0+s21+$0x0], $0xffff  }
0xc1: {  	s26 =	sadd.s32 $0x40, s14;
	[tilespmem:s22+$0x0] =	vst v3  }
0xc2: {  	[tilespmem:s26+$0x10] =	vst v5  }
0xc3: {  	[tilespmem:s26+$0xFFFFFFE0] =	vst v6  }
0xc4: {  	[tilespmem:s26+$0xFFFFFFF0] =	vst v1  }
0xc5: {  	s15 =	simm.s32 $0x1A700;
	[tilespmem:s26+$0x0] =	vst v0  }
0xc6: {  	[tilespmem:s21], [sflag:$0x2] =	stream.indirect.gather [hbm4b:s1+s18], $0x80, s15, s18, $0xb8;
	[tilespmem:$0x1AF80] =	vst v63  }
0xc7: {  	_ =	swait.ge [sflag:s19], $0x4000  }
0xc8: {  	[sflag:s19] =	ssyncset.done $0x0  }
0xc9: {  	s22 =	simm.s32 $0x18CA0;
	[sflag:s19] =	ssyncadd.s32 $0xFFFFC000  }
0xca: {  	v1 =	vld [tilespmem:s22+$0x0]  }
0xcb: {  	v2 =	vld [tilespmem:s22+$0xFFFFFFE0]  }
0xcc: {  	v4 =	vld [tilespmem:s22+$0xFFFFFFF0];
	_ =	sdelay $0x2  }
0xcd: {  	v0 =	vadd.s32 $0x80, v1  }
0xce: {  	s24 =	simm.s32 $0x19920;
	v8 =	vld [tilespmem:s22+$0x10];
	v3 =	vadd.s32 $0x80, v2  }
0xcf: {  	v7 =	vld [tilespmem:s24+$0xFFFFFFF0];
	v6 =	vadd.s32 $0x80, v4  }
0xd0: {  	v5 =	vld [tilespmem:s24+$0xFFFFFFE0]  }
0xd1: {  	v9 =	vld [tilespmem:s24+$0x0]  }
0xd2: {  	v11 =	vld.idx.msk [tilespmem:v0+s20+$0x0], $0xffff  }
0xd3: {  	v3 =	vld.idx.msk [tilespmem:v3+s20+$0x0], $0xffff  }
0xd4: {  	v10 =	vadd.s32 $0x80, v8;
	v13 =	vld.idx.msk [tilespmem:v6+s20+$0x0], $0xffff;
	_ =	sdelay $0x3  }
0xd5: {  	v12 =	vld [tilespmem:s24+$0x10];
	v2 =	vshll.u32 v2, $0x7;
	v6 =	vadd.s32 v9, v11;
	v9 =	vshll.u32 v1, $0x7  }
0xd6: {  	s26 =	simm.s32 $0x18CE0;
	v14 =	vld.idx.msk [tilespmem:v10+s20+$0x0], $0xffff;
	v3 =	vadd.s32 v5, v3;
	v7 =	vadd.s32 v7, v13;
	v10 =	vand.u32 $0xFFFFFF80, v6  }
0xd7: {  	v0 =	vld [tilespmem:s26+$0x0];
	v11 =	vand.u32 $0x7F, v6;
	v15 =	vand.u32 $0xFFFFFF80, v3;
	v9 =	vadd.s32 v9, v10  }
0xd8: {  	v1 =	vld [tilespmem:s26+$0xFFFFFFE0];
	v10 =	vand.u32 $0x7F, v3;
	v2 =	vadd.s32 v2, v15;
	v9 =	vor.u32 v11, v9  }
0xd9: {  	v4 =	vshll.u32 v4, $0x7;
	v5 =	vld [tilespmem:s26+$0x10];
	v11 =	vor.u32 v10, v2;
	v10 =	vand.u32 $0xFFFFFF80, v7  }
0xda: {  	s24 =	simm.s32 $0x19960;
	v6 =	vld [tilespmem:s26+$0xFFFFFFF0];
	v15 =	vand.u32 $0x7F, v7;
	v4 =	vadd.s32 v4, v10  }
0xdb: {  	v3 =	vld [tilespmem:s24+$0xFFFFFFF0];
	v15 =	vor.u32 v15, v4  }
0xdc: {  	v2 =	vld [tilespmem:s24+$0x10]  }
0xdd: {  	v13 =	vadd.s32 $0x80, v0;
	v4 =	vld.idx.msk [tilespmem:v9+s23+$0x0], $0xffff  }
0xde: {  	v16 =	vadd.s32 $0x80, v1;
	v9 =	vld.idx.msk [tilespmem:v11+s23+$0x0], $0xffff;
	v11 =	vadd.s32 v12, v14  }
0xdf: {  	v8 =	vshll.u32 v8, $0x7;
	v7 =	vld [tilespmem:s24+$0xFFFFFFE0];
	v17 =	vadd.s32 $0x80, v6;
	v12 =	vand.u32 $0xFFFFFF80, v11  }
0xe0: {  	v11 =	vand.u32 $0x7F, v11;
	v12 =	vadd.s32 v8, v12;
	v8 =	vld.idx.msk [tilespmem:v15+s23+$0x0], $0xffff;
	v15 =	vadd.s32 $0x80, v5  }
0xe1: {  	v10 =	vld [tilespmem:s24+$0x0];
	v11 =	vor.u32 v11, v12  }
0xe2: {  	s28 =	simm.s32 $0x40;
	v13 =	vld.idx.msk [tilespmem:v13+s20+$0x0], $0xffff  }
0xe3: {  	s29 =	simm.s32 $0x18D20;
	s14 =	simm.s32 $0x11230;
	s15 =	simm.s32 $0x0;
	v14 =	vld.idx.msk [tilespmem:v16+s20+$0x0], $0xffff  }
0xe4: {  	s22 =	sand.u32 $0xFC0, s15;
	s15 =	sand.u32 $0xFC0, s28;
	s26 =	simm.s32 $0x11230;
	v12 =	vld.idx.msk [tilespmem:v17+s20+$0x0], $0xffff  }
.LBB2_10:
0xe5: {  	s28 =	sadd.s32 $0x40, s28;
	v15 =	vld.idx.msk [tilespmem:v15+s20+$0x0], $0xffff;
	s14 =	sadd.s32 $0x40, s14  }
0xe6: {  	v16 =	vshll.u32 v6, $0x7;
	v17 =	vshll.u32 v5, $0x7;
	p0 =	slt.u32 s28, $0xC40;
	[tilespmem:s22+$0x11200] =	vst v9;
	v9 =	vld.idx.msk [tilespmem:v11+s23+$0x0], $0xffff;
	s22 =	smov.u32 s15;
	s15 =	sand.u32 $0xFC0, s28  }
0xe7: {  	v6 =	vshll.u32 v0, $0x7;
	v11 =	vshll.u32 v1, $0x7;
	v5 =	vadd.s32 v10, v13;
	v0 =	vld [tilespmem:s29+$0x0]  }
0xe8: {  	v7 =	vadd.s32 v7, v14;
	v10 =	vand.u32 $0xFFFFFF80, v5;
	v13 =	vand.u32 $0x7F, v5;
	v1 =	vld [tilespmem:s29+$0xFFFFFFE0]  }
0xe9: {  	v14 =	vand.u32 $0xFFFFFF80, v7;
	v7 =	vand.u32 $0x7F, v7;
	v10 =	vadd.s32 v6, v10;
	v5 =	vld [tilespmem:s29+$0x10];
	[tilespmem:s26+$0xFFFFFFE0] =	vst v8  }
0xea: {  	s24 =	sadd.s32 $0x40, s24;
	v8 =	vadd.s32 v11, v14;
	v11 =	vadd.s32 v3, v12;
	v12 =	vor.u32 v13, v10;
	v6 =	vld [tilespmem:s29+$0xFFFFFFF0]  }
0xeb: {  	v8 =	vor.u32 v7, v8;
	v13 =	vand.u32 $0x7F, v11;
	v14 =	vadd.s32 v2, v15;
	v3 =	vld [tilespmem:s24+$0xFFFFFFF0];
	[tilespmem:s26+$0xFFFFFFF0] =	vst v4  }
0xec: {  	v4 =	vand.u32 $0xFFFFFF80, v11;
	v10 =	vand.u32 $0xFFFFFF80, v14;
	v18 =	vadd.s32 $0x80, v0;
	v2 =	vld [tilespmem:s24+$0x10];
	[tilespmem:s26+$0x0] =	vst v9;
	s26 =	smov.u32 s14  }
0xed: {  	v4 =	vadd.s32 v16, v4;
	v11 =	vadd.s32 v17, v10;
	v7 =	vld [tilespmem:s24+$0xFFFFFFE0];
	v19 =	vadd.s32 $0x80, v1  }
0xee: {  	v16 =	vor.u32 v13, v4;
	v10 =	vld [tilespmem:s24+$0x0]  }
0xef: {  	v17 =	vadd.s32 $0x80, v6;
	v4 =	vld.idx.msk [tilespmem:v12+s23+$0x0], $0xffff;
	v12 =	vand.u32 $0x7F, v14  }
.Ltmp4:
0xf0: {  	v15 =	vadd.s32 $0x80, v5;
	v9 =	vld.idx.msk [tilespmem:v8+s23+$0x0], $0xffff;
	v11 =	vor.u32 v12, v11;
	(pc) =	sbr.rel @p0 .LBB2_10-.Ltmp4, $4  }
0xf1: {  	v13 =	vld.idx.msk [tilespmem:v18+s20+$0x0], $0xffff  }
0xf2: {  	v14 =	vld.idx.msk [tilespmem:v19+s20+$0x0], $0xffff  }
0xf3: {  	v8 =	vld.idx.msk [tilespmem:v16+s23+$0x0], $0xffff  }
0xf4: {  	s29 =	sadd.s32 $0x40, s29;
	v12 =	vld.idx.msk [tilespmem:v17+s20+$0x0], $0xffff  }
0xf5: {  	_ =	sdelay $0x3  }
0xf6: {  	v15 =	vld.idx.msk [tilespmem:v15+s20+$0x0], $0xffff;
	v6 =	vshll.u32 v6, $0x7;
	v5 =	vshll.u32 v5, $0x7  }
0xf7: {  	v1 =	vshll.u32 v1, $0x7;
	v0 =	vshll.u32 v0, $0x7;
	v10 =	vadd.s32 v10, v13  }
0xf8: {  	v7 =	vadd.s32 v7, v14;
	v13 =	vand.u32 $0xFFFFFF80, v10;
	v10 =	vand.u32 $0x7F, v10  }
0xf9: {  	v14 =	vand.u32 $0xFFFFFF80, v7;
	v7 =	vand.u32 $0x7F, v7;
	v0 =	vadd.s32 v0, v13  }
0xfa: {  	v1 =	vadd.s32 v1, v14;
	v3 =	vadd.s32 v3, v12;
	v0 =	vor.u32 v10, v0  }
0xfb: {  	v1 =	vor.u32 v7, v1;
	v7 =	vand.u32 $0xFFFFFF80, v3;
	v2 =	vadd.s32 v2, v15  }
0xfc: {  	v3 =	vand.u32 $0x7F, v3;
	v6 =	vadd.s32 v6, v7;
	v7 =	vand.u32 $0xFFFFFF80, v2  }
0xfd: {  	v2 =	vand.u32 $0x7F, v2;
	v3 =	vor.u32 v3, v6;
	v5 =	vadd.s32 v5, v7  }
0xfe: {  	v2 =	vor.u32 v2, v5  }
0xff: {  	v5 =	vld.idx.msk [tilespmem:v11+s23+$0x0], $0xffff  }
0x100: {  	v0 =	vld.idx.msk [tilespmem:v0+s23+$0x0], $0xffff  }
0x101: {  	[tilespmem:s22+$0x11200] =	vst v9;
	v1 =	vld.idx.msk [tilespmem:v1+s23+$0x0], $0xffff  }
0x102: {  	[tilespmem:s26+$0xFFFFFFF0] =	vst v4;
	v3 =	vld.idx.msk [tilespmem:v3+s23+$0x0], $0xffff  }
0x103: {  	[tilespmem:s26+$0xFFFFFFE0] =	vst v8;
	v2 =	vld.idx.msk [tilespmem:v2+s23+$0x0], $0xffff  }
0x104: {  	s14 =	sadd.s32 $0x40, s14;
	[tilespmem:s26+$0x0] =	vst v5  }
0x105: {  	[tilespmem:s14+$0xFFFFFFF0] =	vst v0  }
0x106: {  	[tilespmem:s15+$0x11200] =	vst v1  }
0x107: {  	[tilespmem:s14+$0xFFFFFFE0] =	vst v3  }
0x108: {  	s26 =	simm.s32 $0x1A780;
	[tilespmem:s14+$0x0] =	vst v2  }
0x109: {  	[tilespmem:s23], [sflag:$0x2] =	stream.indirect.gather [hbm4b:s1+s18], $0x80, s26, s18, $0xb8;
	[tilespmem:$0x1AF80] =	vst v63  }
0x10a: {  	_ =	swait.ge [sflag:s19], $0x4000  }
0x10b: {  	[sflag:s19] =	ssyncset.done $0x0  }
0x10c: {  	s15 =	simm.s32 $0x18CA0;
	[sflag:s19] =	ssyncadd.s32 $0xFFFFC000  }
0x10d: {  	v1 =	vld [tilespmem:s15+$0x0]  }
0x10e: {  	v2 =	vld [tilespmem:s15+$0xFFFFFFE0]  }
0x10f: {  	v4 =	vld [tilespmem:s15+$0xFFFFFFF0];
	_ =	sdelay $0x2  }
0x110: {  	v0 =	vadd.s32 $0x100, v1  }
0x111: {  	s22 =	simm.s32 $0x19920;
	v8 =	vld [tilespmem:s15+$0x10];
	v3 =	vadd.s32 $0x100, v2  }
0x112: {  	v7 =	vld [tilespmem:s22+$0xFFFFFFF0];
	v6 =	vadd.s32 $0x100, v4  }
0x113: {  	v5 =	vld [tilespmem:s22+$0xFFFFFFE0]  }
0x114: {  	v9 =	vld [tilespmem:s22+$0x0]  }
0x115: {  	v11 =	vld.idx.msk [tilespmem:v0+s20+$0x0], $0xffff  }
0x116: {  	v3 =	vld.idx.msk [tilespmem:v3+s20+$0x0], $0xffff  }
0x117: {  	v10 =	vadd.s32 $0x100, v8;
	v13 =	vld.idx.msk [tilespmem:v6+s20+$0x0], $0xffff;
	_ =	sdelay $0x3  }
0x118: {  	v12 =	vld [tilespmem:s22+$0x10];
	v2 =	vshll.u32 v2, $0x7;
	v6 =	vadd.s32 v9, v11;
	v9 =	vshll.u32 v1, $0x7  }
0x119: {  	s24 =	simm.s32 $0x18CE0;
	v14 =	vld.idx.msk [tilespmem:v10+s20+$0x0], $0xffff;
	v3 =	vadd.s32 v5, v3;
	v7 =	vadd.s32 v7, v13;
	v10 =	vand.u32 $0xFFFFFF80, v6  }
0x11a: {  	v0 =	vld [tilespmem:s24+$0x0];
	v11 =	vand.u32 $0x7F, v6;
	v15 =	vand.u32 $0xFFFFFF80, v3;
	v9 =	vadd.s32 v9, v10  }
0x11b: {  	v1 =	vld [tilespmem:s24+$0xFFFFFFE0];
	v10 =	vand.u32 $0x7F, v3;
	v2 =	vadd.s32 v2, v15;
	v9 =	vor.u32 v11, v9  }
0x11c: {  	v4 =	vshll.u32 v4, $0x7;
	v5 =	vld [tilespmem:s24+$0x10];
	v11 =	vor.u32 v10, v2;
	v10 =	vand.u32 $0xFFFFFF80, v7  }
0x11d: {  	v6 =	vld [tilespmem:s24+$0xFFFFFFF0];
	s24 =	simm.s32 $0x19960;
	v15 =	vand.u32 $0x7F, v7;
	v4 =	vadd.s32 v4, v10  }
0x11e: {  	v3 =	vld [tilespmem:s24+$0xFFFFFFF0];
	v15 =	vor.u32 v15, v4  }
0x11f: {  	v2 =	vld [tilespmem:s24+$0x10]  }
0x120: {  	v13 =	vadd.s32 $0x100, v0;
	v4 =	vld.idx.msk [tilespmem:v9+s25+$0x0], $0xffff  }
0x121: {  	v16 =	vadd.s32 $0x100, v1;
	v9 =	vld.idx.msk [tilespmem:v11+s25+$0x0], $0xffff;
	v11 =	vadd.s32 v12, v14  }
0x122: {  	v8 =	vshll.u32 v8, $0x7;
	v7 =	vld [tilespmem:s24+$0xFFFFFFE0];
	v17 =	vadd.s32 $0x100, v6;
	v12 =	vand.u32 $0xFFFFFF80, v11  }
0x123: {  	v11 =	vand.u32 $0x7F, v11;
	v12 =	vadd.s32 v8, v12;
	v8 =	vld.idx.msk [tilespmem:v15+s25+$0x0], $0xffff;
	v15 =	vadd.s32 $0x100, v5  }
0x124: {  	v10 =	vld [tilespmem:s24+$0x0];
	v11 =	vor.u32 v11, v12  }
0x125: {  	s28 =	simm.s32 $0x40;
	v13 =	vld.idx.msk [tilespmem:v13+s20+$0x0], $0xffff  }
0x126: {  	s29 =	simm.s32 $0x18D20;
	s14 =	simm.s32 $0x11EB0;
	s26 =	simm.s32 $0x0;
	v14 =	vld.idx.msk [tilespmem:v16+s20+$0x0], $0xffff  }
0x127: {  	s22 =	sand.u32 $0xFC0, s26;
	s15 =	sand.u32 $0xFC0, s28;
	s26 =	simm.s32 $0x11EB0;
	v12 =	vld.idx.msk [tilespmem:v17+s20+$0x0], $0xffff  }
.LBB2_12:
0x128: {  	s28 =	sadd.s32 $0x40, s28;
	v15 =	vld.idx.msk [tilespmem:v15+s20+$0x0], $0xffff;
	s14 =	sadd.s32 $0x40, s14  }
0x129: {  	v16 =	vshll.u32 v6, $0x7;
	v17 =	vshll.u32 v5, $0x7;
	p0 =	slt.u32 s28, $0xC40;
	[tilespmem:s22+$0x11E80] =	vst v9;
	v9 =	vld.idx.msk [tilespmem:v11+s25+$0x0], $0xffff;
	s22 =	smov.u32 s15;
	s15 =	sand.u32 $0xFC0, s28  }
0x12a: {  	v6 =	vshll.u32 v0, $0x7;
	v11 =	vshll.u32 v1, $0x7;
	v5 =	vadd.s32 v10, v13;
	v0 =	vld [tilespmem:s29+$0x0]  }
0x12b: {  	v7 =	vadd.s32 v7, v14;
	v10 =	vand.u32 $0xFFFFFF80, v5;
	v13 =	vand.u32 $0x7F, v5;
	v1 =	vld [tilespmem:s29+$0xFFFFFFE0]  }
0x12c: {  	v14 =	vand.u32 $0xFFFFFF80, v7;
	v7 =	vand.u32 $0x7F, v7;
	v10 =	vadd.s32 v6, v10;
	v5 =	vld [tilespmem:s29+$0x10];
	[tilespmem:s26+$0xFFFFFFE0] =	vst v8  }
0x12d: {  	s24 =	sadd.s32 $0x40, s24;
	v8 =	vadd.s32 v11, v14;
	v11 =	vadd.s32 v3, v12;
	v12 =	vor.u32 v13, v10;
	v6 =	vld [tilespmem:s29+$0xFFFFFFF0]  }
0x12e: {  	v8 =	vor.u32 v7, v8;
	v13 =	vand.u32 $0x7F, v11;
	v14 =	vadd.s32 v2, v15;
	v3 =	vld [tilespmem:s24+$0xFFFFFFF0];
	[tilespmem:s26+$0xFFFFFFF0] =	vst v4  }
0x12f: {  	v4 =	vand.u32 $0xFFFFFF80, v11;
	v10 =	vand.u32 $0xFFFFFF80, v14;
	v18 =	vadd.s32 $0x100, v0;
	v2 =	vld [tilespmem:s24+$0x10];
	[tilespmem:s26+$0x0] =	vst v9;
	s26 =	smov.u32 s14  }
0x130: {  	v4 =	vadd.s32 v16, v4;
	v11 =	vadd.s32 v17, v10;
	v7 =	vld [tilespmem:s24+$0xFFFFFFE0];
	v19 =	vadd.s32 $0x100, v1  }
0x131: {  	v16 =	vor.u32 v13, v4;
	v10 =	vld [tilespmem:s24+$0x0]  }
0x132: {  	v17 =	vadd.s32 $0x100, v6;
	v4 =	vld.idx.msk [tilespmem:v12+s25+$0x0], $0xffff;
	v12 =	vand.u32 $0x7F, v14  }
.Ltmp5:
0x133: {  	v15 =	vadd.s32 $0x100, v5;
	v9 =	vld.idx.msk [tilespmem:v8+s25+$0x0], $0xffff;
	v11 =	vor.u32 v12, v11;
	(pc) =	sbr.rel @p0 .LBB2_12-.Ltmp5, $4  }
0x134: {  	v13 =	vld.idx.msk [tilespmem:v18+s20+$0x0], $0xffff  }
0x135: {  	v14 =	vld.idx.msk [tilespmem:v19+s20+$0x0], $0xffff  }
0x136: {  	v8 =	vld.idx.msk [tilespmem:v16+s25+$0x0], $0xffff  }
0x137: {  	s29 =	sadd.s32 $0x40, s29;
	v12 =	vld.idx.msk [tilespmem:v17+s20+$0x0], $0xffff  }
0x138: {  	_ =	sdelay $0x3  }
0x139: {  	v15 =	vld.idx.msk [tilespmem:v15+s20+$0x0], $0xffff;
	v6 =	vshll.u32 v6, $0x7;
	v5 =	vshll.u32 v5, $0x7  }
0x13a: {  	v1 =	vshll.u32 v1, $0x7;
	v0 =	vshll.u32 v0, $0x7;
	v10 =	vadd.s32 v10, v13  }
0x13b: {  	v7 =	vadd.s32 v7, v14;
	v13 =	vand.u32 $0xFFFFFF80, v10;
	v10 =	vand.u32 $0x7F, v10  }
0x13c: {  	v14 =	vand.u32 $0xFFFFFF80, v7;
	v7 =	vand.u32 $0x7F, v7;
	v0 =	vadd.s32 v0, v13  }
0x13d: {  	v1 =	vadd.s32 v1, v14;
	v3 =	vadd.s32 v3, v12;
	v0 =	vor.u32 v10, v0  }
0x13e: {  	v1 =	vor.u32 v7, v1;
	v7 =	vand.u32 $0xFFFFFF80, v3;
	v2 =	vadd.s32 v2, v15  }
0x13f: {  	v3 =	vand.u32 $0x7F, v3;
	v6 =	vadd.s32 v6, v7;
	v7 =	vand.u32 $0xFFFFFF80, v2  }
0x140: {  	v2 =	vand.u32 $0x7F, v2;
	v3 =	vor.u32 v3, v6;
	v5 =	vadd.s32 v5, v7  }
0x141: {  	v2 =	vor.u32 v2, v5  }
0x142: {  	v5 =	vld.idx.msk [tilespmem:v11+s25+$0x0], $0xffff  }
0x143: {  	v0 =	vld.idx.msk [tilespmem:v0+s25+$0x0], $0xffff  }
0x144: {  	[tilespmem:s22+$0x11E80] =	vst v9;
	v1 =	vld.idx.msk [tilespmem:v1+s25+$0x0], $0xffff  }
0x145: {  	[tilespmem:s26+$0xFFFFFFF0] =	vst v4;
	v3 =	vld.idx.msk [tilespmem:v3+s25+$0x0], $0xffff  }
0x146: {  	[tilespmem:s26+$0xFFFFFFE0] =	vst v8;
	v2 =	vld.idx.msk [tilespmem:v2+s25+$0x0], $0xffff  }
0x147: {  	s14 =	sadd.s32 $0x40, s14;
	[tilespmem:s26+$0x0] =	vst v5  }
0x148: {  	[tilespmem:s14+$0xFFFFFFF0] =	vst v0  }
0x149: {  	[tilespmem:s15+$0x11E80] =	vst v1  }
0x14a: {  	[tilespmem:s14+$0xFFFFFFE0] =	vst v3  }
0x14b: {  	s26 =	simm.s32 $0x1A800;
	[tilespmem:s14+$0x0] =	vst v2  }
0x14c: {  	[tilespmem:s25], [sflag:$0x2] =	stream.indirect.gather [hbm4b:s1+s18], $0x80, s26, s18, $0xb8;
	[tilespmem:$0x1AF80] =	vst v63  }
0x14d: {  	_ =	swait.ge [sflag:s19], $0x4000  }
0x14e: {  	[sflag:s19] =	ssyncset.done $0x0  }
0x14f: {  	s15 =	simm.s32 $0x18CA0;
	[sflag:s19] =	ssyncadd.s32 $0xFFFFC000  }
0x150: {  	v1 =	vld [tilespmem:s15+$0x0]  }
0x151: {  	v2 =	vld [tilespmem:s15+$0xFFFFFFE0]  }
0x152: {  	v4 =	vld [tilespmem:s15+$0xFFFFFFF0];
	_ =	sdelay $0x2  }
0x153: {  	v0 =	vadd.s32 $0x180, v1  }
0x154: {  	s22 =	simm.s32 $0x19920;
	v8 =	vld [tilespmem:s15+$0x10];
	v3 =	vadd.s32 $0x180, v2  }
0x155: {  	v7 =	vld [tilespmem:s22+$0xFFFFFFF0];
	v6 =	vadd.s32 $0x180, v4  }
0x156: {  	v5 =	vld [tilespmem:s22+$0xFFFFFFE0]  }
0x157: {  	v9 =	vld [tilespmem:s22+$0x0]  }
0x158: {  	v11 =	vld.idx.msk [tilespmem:v0+s20+$0x0], $0xffff  }
0x159: {  	v3 =	vld.idx.msk [tilespmem:v3+s20+$0x0], $0xffff  }
0x15a: {  	v10 =	vadd.s32 $0x180, v8;
	v13 =	vld.idx.msk [tilespmem:v6+s20+$0x0], $0xffff;
	_ =	sdelay $0x3  }
0x15b: {  	v12 =	vld [tilespmem:s22+$0x10];
	v2 =	vshll.u32 v2, $0x7;
	v6 =	vadd.s32 v9, v11;
	v9 =	vshll.u32 v1, $0x7  }
0x15c: {  	s24 =	simm.s32 $0x18CE0;
	v14 =	vld.idx.msk [tilespmem:v10+s20+$0x0], $0xffff;
	v3 =	vadd.s32 v5, v3;
	v7 =	vadd.s32 v7, v13;
	v10 =	vand.u32 $0xFFFFFF80, v6  }
0x15d: {  	v0 =	vld [tilespmem:s24+$0x0];
	v11 =	vand.u32 $0x7F, v6;
	v15 =	vand.u32 $0xFFFFFF80, v3;
	v9 =	vadd.s32 v9, v10  }
0x15e: {  	v1 =	vld [tilespmem:s24+$0xFFFFFFE0];
	v10 =	vand.u32 $0x7F, v3;
	v2 =	vadd.s32 v2, v15;
	v9 =	vor.u32 v11, v9  }
0x15f: {  	v4 =	vshll.u32 v4, $0x7;
	v5 =	vld [tilespmem:s24+$0x10];
	v11 =	vor.u32 v10, v2;
	v10 =	vand.u32 $0xFFFFFF80, v7  }
0x160: {  	v6 =	vld [tilespmem:s24+$0xFFFFFFF0];
	s24 =	simm.s32 $0x19960;
	v15 =	vand.u32 $0x7F, v7;
	v4 =	vadd.s32 v4, v10  }
0x161: {  	v3 =	vld [tilespmem:s24+$0xFFFFFFF0];
	v15 =	vor.u32 v15, v4  }
0x162: {  	v2 =	vld [tilespmem:s24+$0x10]  }
0x163: {  	v13 =	vadd.s32 $0x180, v0;
	v4 =	vld.idx.msk [tilespmem:v9+s21+$0x0], $0xffff  }
0x164: {  	v16 =	vadd.s32 $0x180, v1;
	v9 =	vld.idx.msk [tilespmem:v11+s21+$0x0], $0xffff;
	v11 =	vadd.s32 v12, v14  }
0x165: {  	v8 =	vshll.u32 v8, $0x7;
	v7 =	vld [tilespmem:s24+$0xFFFFFFE0];
	v17 =	vadd.s32 $0x180, v6;
	v12 =	vand.u32 $0xFFFFFF80, v11  }
0x166: {  	v11 =	vand.u32 $0x7F, v11;
	v12 =	vadd.s32 v8, v12;
	v8 =	vld.idx.msk [tilespmem:v15+s21+$0x0], $0xffff;
	v15 =	vadd.s32 $0x180, v5  }
0x167: {  	v10 =	vld [tilespmem:s24+$0x0];
	v11 =	vor.u32 v11, v12  }
0x168: {  	s28 =	simm.s32 $0x40;
	v13 =	vld.idx.msk [tilespmem:v13+s20+$0x0], $0xffff  }
0x169: {  	s29 =	simm.s32 $0x18D20;
	s14 =	simm.s32 $0x12B30;
	s26 =	simm.s32 $0x0;
	v14 =	vld.idx.msk [tilespmem:v16+s20+$0x0], $0xffff  }
0x16a: {  	s22 =	sand.u32 $0xFC0, s26;
	s15 =	sand.u32 $0xFC0, s28;
	s26 =	simm.s32 $0x12B30;
	v12 =	vld.idx.msk [tilespmem:v17+s20+$0x0], $0xffff  }
.LBB2_14:
0x16b: {  	s28 =	sadd.s32 $0x40, s28;
	v15 =	vld.idx.msk [tilespmem:v15+s20+$0x0], $0xffff;
	s14 =	sadd.s32 $0x40, s14  }
0x16c: {  	v16 =	vshll.u32 v6, $0x7;
	v17 =	vshll.u32 v5, $0x7;
	p0 =	slt.u32 s28, $0xC40;
	[tilespmem:s22+$0x12B00] =	vst v9;
	v9 =	vld.idx.msk [tilespmem:v11+s21+$0x0], $0xffff;
	s22 =	smov.u32 s15;
	s15 =	sand.u32 $0xFC0, s28  }
0x16d: {  	v6 =	vshll.u32 v0, $0x7;
	v11 =	vshll.u32 v1, $0x7;
	v5 =	vadd.s32 v10, v13;
	v0 =	vld [tilespmem:s29+$0x0]  }
0x16e: {  	v7 =	vadd.s32 v7, v14;
	v10 =	vand.u32 $0xFFFFFF80, v5;
	v13 =	vand.u32 $0x7F, v5;
	v1 =	vld [tilespmem:s29+$0xFFFFFFE0]  }
0x16f: {  	v14 =	vand.u32 $0xFFFFFF80, v7;
	v7 =	vand.u32 $0x7F, v7;
	v10 =	vadd.s32 v6, v10;
	v5 =	vld [tilespmem:s29+$0x10];
	[tilespmem:s26+$0xFFFFFFE0] =	vst v8  }
0x170: {  	s24 =	sadd.s32 $0x40, s24;
	v8 =	vadd.s32 v11, v14;
	v11 =	vadd.s32 v3, v12;
	v12 =	vor.u32 v13, v10;
	v6 =	vld [tilespmem:s29+$0xFFFFFFF0]  }
0x171: {  	v8 =	vor.u32 v7, v8;
	v13 =	vand.u32 $0x7F, v11;
	v14 =	vadd.s32 v2, v15;
	v3 =	vld [tilespmem:s24+$0xFFFFFFF0];
	[tilespmem:s26+$0xFFFFFFF0] =	vst v4  }
0x172: {  	v4 =	vand.u32 $0xFFFFFF80, v11;
	v10 =	vand.u32 $0xFFFFFF80, v14;
	v18 =	vadd.s32 $0x180, v0;
	v2 =	vld [tilespmem:s24+$0x10];
	[tilespmem:s26+$0x0] =	vst v9;
	s26 =	smov.u32 s14  }
0x173: {  	v4 =	vadd.s32 v16, v4;
	v11 =	vadd.s32 v17, v10;
	v7 =	vld [tilespmem:s24+$0xFFFFFFE0];
	v19 =	vadd.s32 $0x180, v1  }
0x174: {  	v16 =	vor.u32 v13, v4;
	v10 =	vld [tilespmem:s24+$0x0]  }
0x175: {  	v17 =	vadd.s32 $0x180, v6;
	v4 =	vld.idx.msk [tilespmem:v12+s21+$0x0], $0xffff;
	v12 =	vand.u32 $0x7F, v14  }
.Ltmp6:
0x176: {  	v15 =	vadd.s32 $0x180, v5;
	v9 =	vld.idx.msk [tilespmem:v8+s21+$0x0], $0xffff;
	v11 =	vor.u32 v12, v11;
	(pc) =	sbr.rel @p0 .LBB2_14-.Ltmp6, $4  }
0x177: {  	v13 =	vld.idx.msk [tilespmem:v18+s20+$0x0], $0xffff  }
0x178: {  	v14 =	vld.idx.msk [tilespmem:v19+s20+$0x0], $0xffff  }
0x179: {  	v8 =	vld.idx.msk [tilespmem:v16+s21+$0x0], $0xffff  }
0x17a: {  	s29 =	sadd.s32 $0x40, s29;
	v12 =	vld.idx.msk [tilespmem:v17+s20+$0x0], $0xffff  }
0x17b: {  	_ =	sdelay $0x3  }
0x17c: {  	v15 =	vld.idx.msk [tilespmem:v15+s20+$0x0], $0xffff;
	v6 =	vshll.u32 v6, $0x7;
	v5 =	vshll.u32 v5, $0x7  }
0x17d: {  	v1 =	vshll.u32 v1, $0x7;
	v0 =	vshll.u32 v0, $0x7;
	v10 =	vadd.s32 v10, v13  }
0x17e: {  	v7 =	vadd.s32 v7, v14;
	v13 =	vand.u32 $0xFFFFFF80, v10;
	v10 =	vand.u32 $0x7F, v10  }
0x17f: {  	v14 =	vand.u32 $0xFFFFFF80, v7;
	v7 =	vand.u32 $0x7F, v7;
	v0 =	vadd.s32 v0, v13  }
0x180: {  	v1 =	vadd.s32 v1, v14;
	v3 =	vadd.s32 v3, v12;
	v0 =	vor.u32 v10, v0  }
0x181: {  	v1 =	vor.u32 v7, v1;
	v7 =	vand.u32 $0xFFFFFF80, v3;
	v2 =	vadd.s32 v2, v15  }
0x182: {  	v3 =	vand.u32 $0x7F, v3;
	v6 =	vadd.s32 v6, v7;
	v7 =	vand.u32 $0xFFFFFF80, v2  }
0x183: {  	v2 =	vand.u32 $0x7F, v2;
	v3 =	vor.u32 v3, v6;
	v5 =	vadd.s32 v5, v7  }
0x184: {  	v2 =	vor.u32 v2, v5  }
0x185: {  	v5 =	vld.idx.msk [tilespmem:v11+s21+$0x0], $0xffff  }
0x186: {  	v0 =	vld.idx.msk [tilespmem:v0+s21+$0x0], $0xffff  }
0x187: {  	[tilespmem:s22+$0x12B00] =	vst v9;
	v1 =	vld.idx.msk [tilespmem:v1+s21+$0x0], $0xffff  }
0x188: {  	[tilespmem:s26+$0xFFFFFFF0] =	vst v4;
	v3 =	vld.idx.msk [tilespmem:v3+s21+$0x0], $0xffff  }
0x189: {  	[tilespmem:s26+$0xFFFFFFE0] =	vst v8;
	v2 =	vld.idx.msk [tilespmem:v2+s21+$0x0], $0xffff  }
0x18a: {  	s14 =	sadd.s32 $0x40, s14;
	[tilespmem:s26+$0x0] =	vst v5  }
0x18b: {  	[tilespmem:s14+$0xFFFFFFF0] =	vst v0  }
0x18c: {  	[tilespmem:s15+$0x12B00] =	vst v1  }
0x18d: {  	[tilespmem:s14+$0xFFFFFFE0] =	vst v3  }
0x18e: {  	[tilespmem:s14+$0x0] =	vst v2  }
0x18f: {  	[tilespmem:s21], [sflag:$0x2] =	stream.indirect.gather [hbm4b:s1+s18], $0x80, s30, s18, $0xb8;
	[tilespmem:$0x1AF80] =	vst v63  }
0x190: {  	_ =	swait.ge [sflag:s19], $0x4000  }
0x191: {  	[sflag:s19] =	ssyncset.done $0x0  }
0x192: {  	s15 =	simm.s32 $0x18CA0;
	[sflag:s19] =	ssyncadd.s32 $0xFFFFC000  }
0x193: {  	v1 =	vld [tilespmem:s15+$0x0]  }
0x194: {  	v2 =	vld [tilespmem:s15+$0xFFFFFFE0]  }
0x195: {  	v4 =	vld [tilespmem:s15+$0xFFFFFFF0];
	_ =	sdelay $0x2  }
0x196: {  	v0 =	vadd.s32 $0x200, v1  }
0x197: {  	s22 =	simm.s32 $0x19920;
	v8 =	vld [tilespmem:s15+$0x10];
	v3 =	vadd.s32 $0x200, v2  }
0x198: {  	v7 =	vld [tilespmem:s22+$0xFFFFFFF0];
	v6 =	vadd.s32 $0x200, v4  }
0x199: {  	v5 =	vld [tilespmem:s22+$0xFFFFFFE0]  }
0x19a: {  	v9 =	vld [tilespmem:s22+$0x0]  }
0x19b: {  	v11 =	vld.idx.msk [tilespmem:v0+s20+$0x0], $0xffff  }
0x19c: {  	v3 =	vld.idx.msk [tilespmem:v3+s20+$0x0], $0xffff  }
0x19d: {  	v10 =	vadd.s32 $0x200, v8;
	v13 =	vld.idx.msk [tilespmem:v6+s20+$0x0], $0xffff;
	_ =	sdelay $0x3  }
0x19e: {  	v12 =	vld [tilespmem:s22+$0x10];
	v2 =	vshll.u32 v2, $0x7;
	v6 =	vadd.s32 v9, v11;
	v9 =	vshll.u32 v1, $0x7  }
0x19f: {  	s24 =	simm.s32 $0x18CE0;
	v14 =	vld.idx.msk [tilespmem:v10+s20+$0x0], $0xffff;
	v3 =	vadd.s32 v5, v3;
	v7 =	vadd.s32 v7, v13;
	v10 =	vand.u32 $0xFFFFFF80, v6  }
0x1a0: {  	v0 =	vld [tilespmem:s24+$0x0];
	v11 =	vand.u32 $0x7F, v6;
	v15 =	vand.u32 $0xFFFFFF80, v3;
	v9 =	vadd.s32 v9, v10  }
0x1a1: {  	v1 =	vld [tilespmem:s24+$0xFFFFFFE0];
	v10 =	vand.u32 $0x7F, v3;
	v2 =	vadd.s32 v2, v15;
	v9 =	vor.u32 v11, v9  }
0x1a2: {  	v4 =	vshll.u32 v4, $0x7;
	v5 =	vld [tilespmem:s24+$0x10];
	v11 =	vor.u32 v10, v2;
	v10 =	vand.u32 $0xFFFFFF80, v7  }
0x1a3: {  	v6 =	vld [tilespmem:s24+$0xFFFFFFF0];
	s24 =	simm.s32 $0x19960;
	v15 =	vand.u32 $0x7F, v7;
	v4 =	vadd.s32 v4, v10  }
0x1a4: {  	v3 =	vld [tilespmem:s24+$0xFFFFFFF0];
	v15 =	vor.u32 v15, v4  }
0x1a5: {  	v2 =	vld [tilespmem:s24+$0x10]  }
0x1a6: {  	v13 =	vadd.s32 $0x200, v0;
	v4 =	vld.idx.msk [tilespmem:v9+s23+$0x0], $0xffff  }
0x1a7: {  	v16 =	vadd.s32 $0x200, v1;
	v9 =	vld.idx.msk [tilespmem:v11+s23+$0x0], $0xffff;
	v11 =	vadd.s32 v12, v14  }
0x1a8: {  	v8 =	vshll.u32 v8, $0x7;
	v7 =	vld [tilespmem:s24+$0xFFFFFFE0];
	v17 =	vadd.s32 $0x200, v6;
	v12 =	vand.u32 $0xFFFFFF80, v11  }
0x1a9: {  	v11 =	vand.u32 $0x7F, v11;
	v12 =	vadd.s32 v8, v12;
	v8 =	vld.idx.msk [tilespmem:v15+s23+$0x0], $0xffff;
	v15 =	vadd.s32 $0x200, v5  }
0x1aa: {  	v10 =	vld [tilespmem:s24+$0x0];
	v11 =	vor.u32 v11, v12  }
0x1ab: {  	s28 =	simm.s32 $0x40;
	v13 =	vld.idx.msk [tilespmem:v13+s20+$0x0], $0xffff  }
0x1ac: {  	s29 =	simm.s32 $0x18D20;
	s26 =	simm.s32 $0x0;
	s14 =	simm.s32 $0x137B0;
	v14 =	vld.idx.msk [tilespmem:v16+s20+$0x0], $0xffff  }
0x1ad: {  	s22 =	sand.u32 $0xFC0, s26;
	s15 =	sand.u32 $0xFC0, s28;
	s26 =	simm.s32 $0x137B0;
	v12 =	vld.idx.msk [tilespmem:v17+s20+$0x0], $0xffff  }
.LBB2_16:
0x1ae: {  	s28 =	sadd.s32 $0x40, s28;
	v15 =	vld.idx.msk [tilespmem:v15+s20+$0x0], $0xffff;
	s14 =	sadd.s32 $0x40, s14  }
0x1af: {  	v16 =	vshll.u32 v6, $0x7;
	v17 =	vshll.u32 v5, $0x7;
	p0 =	slt.u32 s28, $0xC40;
	[tilespmem:s22+$0x13780] =	vst v9;
	v9 =	vld.idx.msk [tilespmem:v11+s23+$0x0], $0xffff;
	s22 =	smov.u32 s15;
	s15 =	sand.u32 $0xFC0, s28  }
0x1b0: {  	v6 =	vshll.u32 v0, $0x7;
	v11 =	vshll.u32 v1, $0x7;
	v5 =	vadd.s32 v10, v13;
	v0 =	vld [tilespmem:s29+$0x0]  }
0x1b1: {  	v7 =	vadd.s32 v7, v14;
	v10 =	vand.u32 $0xFFFFFF80, v5;
	v13 =	vand.u32 $0x7F, v5;
	v1 =	vld [tilespmem:s29+$0xFFFFFFE0]  }
0x1b2: {  	v14 =	vand.u32 $0xFFFFFF80, v7;
	v7 =	vand.u32 $0x7F, v7;
	v10 =	vadd.s32 v6, v10;
	v5 =	vld [tilespmem:s29+$0x10];
	[tilespmem:s26+$0xFFFFFFE0] =	vst v8  }
0x1b3: {  	s24 =	sadd.s32 $0x40, s24;
	v8 =	vadd.s32 v11, v14;
	v11 =	vadd.s32 v3, v12;
	v12 =	vor.u32 v13, v10;
	v6 =	vld [tilespmem:s29+$0xFFFFFFF0]  }
0x1b4: {  	v8 =	vor.u32 v7, v8;
	v13 =	vand.u32 $0x7F, v11;
	v14 =	vadd.s32 v2, v15;
	v3 =	vld [tilespmem:s24+$0xFFFFFFF0];
	[tilespmem:s26+$0xFFFFFFF0] =	vst v4  }
0x1b5: {  	v4 =	vand.u32 $0xFFFFFF80, v11;
	v10 =	vand.u32 $0xFFFFFF80, v14;
	v18 =	vadd.s32 $0x200, v0;
	v2 =	vld [tilespmem:s24+$0x10];
	[tilespmem:s26+$0x0] =	vst v9;
	s26 =	smov.u32 s14  }
0x1b6: {  	v4 =	vadd.s32 v16, v4;
	v11 =	vadd.s32 v17, v10;
	v7 =	vld [tilespmem:s24+$0xFFFFFFE0];
	v19 =	vadd.s32 $0x200, v1  }
0x1b7: {  	v16 =	vor.u32 v13, v4;
	v10 =	vld [tilespmem:s24+$0x0]  }
0x1b8: {  	v17 =	vadd.s32 $0x200, v6;
	v4 =	vld.idx.msk [tilespmem:v12+s23+$0x0], $0xffff;
	v12 =	vand.u32 $0x7F, v14  }
.Ltmp7:
0x1b9: {  	v15 =	vadd.s32 $0x200, v5;
	v9 =	vld.idx.msk [tilespmem:v8+s23+$0x0], $0xffff;
	v11 =	vor.u32 v12, v11;
	(pc) =	sbr.rel @p0 .LBB2_16-.Ltmp7, $4  }
0x1ba: {  	v13 =	vld.idx.msk [tilespmem:v18+s20+$0x0], $0xffff  }
0x1bb: {  	v14 =	vld.idx.msk [tilespmem:v19+s20+$0x0], $0xffff  }
0x1bc: {  	v8 =	vld.idx.msk [tilespmem:v16+s23+$0x0], $0xffff  }
0x1bd: {  	s29 =	sadd.s32 $0x40, s29;
	v12 =	vld.idx.msk [tilespmem:v17+s20+$0x0], $0xffff  }
0x1be: {  	_ =	sdelay $0x3  }
0x1bf: {  	v15 =	vld.idx.msk [tilespmem:v15+s20+$0x0], $0xffff;
	v6 =	vshll.u32 v6, $0x7;
	v5 =	vshll.u32 v5, $0x7  }
0x1c0: {  	v1 =	vshll.u32 v1, $0x7;
	v0 =	vshll.u32 v0, $0x7;
	v10 =	vadd.s32 v10, v13  }
0x1c1: {  	v7 =	vadd.s32 v7, v14;
	v13 =	vand.u32 $0xFFFFFF80, v10;
	v10 =	vand.u32 $0x7F, v10  }
0x1c2: {  	v14 =	vand.u32 $0xFFFFFF80, v7;
	v7 =	vand.u32 $0x7F, v7;
	v0 =	vadd.s32 v0, v13  }
0x1c3: {  	v1 =	vadd.s32 v1, v14;
	v3 =	vadd.s32 v3, v12;
	v0 =	vor.u32 v10, v0  }
0x1c4: {  	v1 =	vor.u32 v7, v1;
	v7 =	vand.u32 $0xFFFFFF80, v3;
	v2 =	vadd.s32 v2, v15  }
0x1c5: {  	v3 =	vand.u32 $0x7F, v3;
	v6 =	vadd.s32 v6, v7;
	v7 =	vand.u32 $0xFFFFFF80, v2  }
0x1c6: {  	v2 =	vand.u32 $0x7F, v2;
	v3 =	vor.u32 v3, v6;
	v5 =	vadd.s32 v5, v7  }
0x1c7: {  	v2 =	vor.u32 v2, v5  }
0x1c8: {  	v5 =	vld.idx.msk [tilespmem:v11+s23+$0x0], $0xffff  }
0x1c9: {  	v0 =	vld.idx.msk [tilespmem:v0+s23+$0x0], $0xffff  }
0x1ca: {  	[tilespmem:s22+$0x13780] =	vst v9;
	v1 =	vld.idx.msk [tilespmem:v1+s23+$0x0], $0xffff  }
0x1cb: {  	[tilespmem:s26+$0xFFFFFFF0] =	vst v4;
	v3 =	vld.idx.msk [tilespmem:v3+s23+$0x0], $0xffff  }
0x1cc: {  	[tilespmem:s26+$0xFFFFFFE0] =	vst v8;
	v2 =	vld.idx.msk [tilespmem:v2+s23+$0x0], $0xffff  }
0x1cd: {  	s14 =	sadd.s32 $0x40, s14;
	[tilespmem:s26+$0x0] =	vst v5  }
0x1ce: {  	[tilespmem:s14+$0xFFFFFFF0] =	vst v0  }
0x1cf: {  	[tilespmem:s15+$0x13780] =	vst v1  }
0x1d0: {  	[tilespmem:s14+$0xFFFFFFE0] =	vst v3  }
0x1d1: {  	[tilespmem:s14+$0x0] =	vst v2  }
0x1d2: {  	[tilespmem:s23], [sflag:$0x2] =	stream.indirect.gather [hbm4b:s1+s18], $0x80, s31, s18, $0xb8;
	[tilespmem:$0x1AF80] =	vst v63  }
0x1d3: {  	_ =	swait.ge [sflag:s19], $0x4000  }
0x1d4: {  	[sflag:s19] =	ssyncset.done $0x0  }
0x1d5: {  	s15 =	simm.s32 $0x18CA0;
	[sflag:s19] =	ssyncadd.s32 $0xFFFFC000  }
0x1d6: {  	v1 =	vld [tilespmem:s15+$0x0]  }
0x1d7: {  	v2 =	vld [tilespmem:s15+$0xFFFFFFE0]  }
0x1d8: {  	v4 =	vld [tilespmem:s15+$0xFFFFFFF0];
	_ =	sdelay $0x2  }
0x1d9: {  	v0 =	vadd.s32 $0x280, v1  }
0x1da: {  	s22 =	simm.s32 $0x19920;
	v8 =	vld [tilespmem:s15+$0x10];
	v3 =	vadd.s32 $0x280, v2  }
0x1db: {  	v7 =	vld [tilespmem:s22+$0xFFFFFFF0];
	v6 =	vadd.s32 $0x280, v4  }
0x1dc: {  	v5 =	vld [tilespmem:s22+$0xFFFFFFE0]  }
0x1dd: {  	v9 =	vld [tilespmem:s22+$0x0]  }
0x1de: {  	v11 =	vld.idx.msk [tilespmem:v0+s20+$0x0], $0xffff  }
0x1df: {  	v3 =	vld.idx.msk [tilespmem:v3+s20+$0x0], $0xffff  }
0x1e0: {  	v10 =	vadd.s32 $0x280, v8;
	v13 =	vld.idx.msk [tilespmem:v6+s20+$0x0], $0xffff;
	_ =	sdelay $0x3  }
0x1e1: {  	v12 =	vld [tilespmem:s22+$0x10];
	v2 =	vshll.u32 v2, $0x7;
	v6 =	vadd.s32 v9, v11;
	v9 =	vshll.u32 v1, $0x7  }
0x1e2: {  	s24 =	simm.s32 $0x18CE0;
	v14 =	vld.idx.msk [tilespmem:v10+s20+$0x0], $0xffff;
	v3 =	vadd.s32 v5, v3;
	v7 =	vadd.s32 v7, v13;
	v10 =	vand.u32 $0xFFFFFF80, v6  }
0x1e3: {  	v0 =	vld [tilespmem:s24+$0x0];
	v11 =	vand.u32 $0x7F, v6;
	v15 =	vand.u32 $0xFFFFFF80, v3;
	v9 =	vadd.s32 v9, v10  }
0x1e4: {  	v1 =	vld [tilespmem:s24+$0xFFFFFFE0];
	v10 =	vand.u32 $0x7F, v3;
	v2 =	vadd.s32 v2, v15;
	v9 =	vor.u32 v11, v9  }
0x1e5: {  	v4 =	vshll.u32 v4, $0x7;
	v5 =	vld [tilespmem:s24+$0x10];
	v11 =	vor.u32 v10, v2;
	v10 =	vand.u32 $0xFFFFFF80, v7  }
0x1e6: {  	v6 =	vld [tilespmem:s24+$0xFFFFFFF0];
	s24 =	simm.s32 $0x19960;
	v15 =	vand.u32 $0x7F, v7;
	v4 =	vadd.s32 v4, v10  }
0x1e7: {  	v3 =	vld [tilespmem:s24+$0xFFFFFFF0];
	v15 =	vor.u32 v15, v4  }
0x1e8: {  	v2 =	vld [tilespmem:s24+$0x10]  }
0x1e9: {  	v13 =	vadd.s32 $0x280, v0;
	v4 =	vld.idx.msk [tilespmem:v9+s25+$0x0], $0xffff  }
0x1ea: {  	v16 =	vadd.s32 $0x280, v1;
	v9 =	vld.idx.msk [tilespmem:v11+s25+$0x0], $0xffff;
	v11 =	vadd.s32 v12, v14  }
0x1eb: {  	v8 =	vshll.u32 v8, $0x7;
	v7 =	vld [tilespmem:s24+$0xFFFFFFE0];
	v17 =	vadd.s32 $0x280, v6;
	v12 =	vand.u32 $0xFFFFFF80, v11  }
0x1ec: {  	v11 =	vand.u32 $0x7F, v11;
	v12 =	vadd.s32 v8, v12;
	v8 =	vld.idx.msk [tilespmem:v15+s25+$0x0], $0xffff;
	v15 =	vadd.s32 $0x280, v5  }
0x1ed: {  	v10 =	vld [tilespmem:s24+$0x0];
	v11 =	vor.u32 v11, v12  }
0x1ee: {  	s28 =	simm.s32 $0x40;
	v13 =	vld.idx.msk [tilespmem:v13+s20+$0x0], $0xffff  }
0x1ef: {  	s29 =	simm.s32 $0x18D20;
	s26 =	simm.s32 $0x0;
	s14 =	simm.s32 $0x14430;
	v14 =	vld.idx.msk [tilespmem:v16+s20+$0x0], $0xffff  }
0x1f0: {  	s22 =	sand.u32 $0xFC0, s26;
	s15 =	sand.u32 $0xFC0, s28;
	s26 =	simm.s32 $0x14430;
	v12 =	vld.idx.msk [tilespmem:v17+s20+$0x0], $0xffff  }
.LBB2_18:
0x1f1: {  	s28 =	sadd.s32 $0x40, s28;
	v15 =	vld.idx.msk [tilespmem:v15+s20+$0x0], $0xffff;
	s14 =	sadd.s32 $0x40, s14  }
0x1f2: {  	v16 =	vshll.u32 v6, $0x7;
	v17 =	vshll.u32 v5, $0x7;
	p0 =	slt.u32 s28, $0xC40;
	[tilespmem:s22+$0x14400] =	vst v9;
	v9 =	vld.idx.msk [tilespmem:v11+s25+$0x0], $0xffff;
	s22 =	smov.u32 s15;
	s15 =	sand.u32 $0xFC0, s28  }
0x1f3: {  	v6 =	vshll.u32 v0, $0x7;
	v11 =	vshll.u32 v1, $0x7;
	v5 =	vadd.s32 v10, v13;
	v0 =	vld [tilespmem:s29+$0x0]  }
0x1f4: {  	v7 =	vadd.s32 v7, v14;
	v10 =	vand.u32 $0xFFFFFF80, v5;
	v13 =	vand.u32 $0x7F, v5;
	v1 =	vld [tilespmem:s29+$0xFFFFFFE0]  }
0x1f5: {  	v14 =	vand.u32 $0xFFFFFF80, v7;
	v7 =	vand.u32 $0x7F, v7;
	v10 =	vadd.s32 v6, v10;
	v5 =	vld [tilespmem:s29+$0x10];
	[tilespmem:s26+$0xFFFFFFE0] =	vst v8  }
0x1f6: {  	s24 =	sadd.s32 $0x40, s24;
	v8 =	vadd.s32 v11, v14;
	v11 =	vadd.s32 v3, v12;
	v12 =	vor.u32 v13, v10;
	v6 =	vld [tilespmem:s29+$0xFFFFFFF0]  }
0x1f7: {  	v8 =	vor.u32 v7, v8;
	v13 =	vand.u32 $0x7F, v11;
	v14 =	vadd.s32 v2, v15;
	v3 =	vld [tilespmem:s24+$0xFFFFFFF0];
	[tilespmem:s26+$0xFFFFFFF0] =	vst v4  }
0x1f8: {  	v4 =	vand.u32 $0xFFFFFF80, v11;
	v10 =	vand.u32 $0xFFFFFF80, v14;
	v18 =	vadd.s32 $0x280, v0;
	v2 =	vld [tilespmem:s24+$0x10];
	[tilespmem:s26+$0x0] =	vst v9;
	s26 =	smov.u32 s14  }
0x1f9: {  	v4 =	vadd.s32 v16, v4;
	v11 =	vadd.s32 v17, v10;
	v7 =	vld [tilespmem:s24+$0xFFFFFFE0];
	v19 =	vadd.s32 $0x280, v1  }
0x1fa: {  	v16 =	vor.u32 v13, v4;
	v10 =	vld [tilespmem:s24+$0x0]  }
0x1fb: {  	v17 =	vadd.s32 $0x280, v6;
	v4 =	vld.idx.msk [tilespmem:v12+s25+$0x0], $0xffff;
	v12 =	vand.u32 $0x7F, v14  }
.Ltmp8:
0x1fc: {  	v15 =	vadd.s32 $0x280, v5;
	v9 =	vld.idx.msk [tilespmem:v8+s25+$0x0], $0xffff;
	v11 =	vor.u32 v12, v11;
	(pc) =	sbr.rel @p0 .LBB2_18-.Ltmp8, $4  }
0x1fd: {  	v13 =	vld.idx.msk [tilespmem:v18+s20+$0x0], $0xffff  }
0x1fe: {  	v14 =	vld.idx.msk [tilespmem:v19+s20+$0x0], $0xffff  }
0x1ff: {  	v8 =	vld.idx.msk [tilespmem:v16+s25+$0x0], $0xffff  }
0x200: {  	s29 =	sadd.s32 $0x40, s29;
	v12 =	vld.idx.msk [tilespmem:v17+s20+$0x0], $0xffff  }
0x201: {  	_ =	sdelay $0x3  }
0x202: {  	v15 =	vld.idx.msk [tilespmem:v15+s20+$0x0], $0xffff;
	v6 =	vshll.u32 v6, $0x7;
	v5 =	vshll.u32 v5, $0x7  }
0x203: {  	v1 =	vshll.u32 v1, $0x7;
	v0 =	vshll.u32 v0, $0x7;
	v10 =	vadd.s32 v10, v13  }
0x204: {  	v7 =	vadd.s32 v7, v14;
	v13 =	vand.u32 $0xFFFFFF80, v10;
	v10 =	vand.u32 $0x7F, v10  }
0x205: {  	v14 =	vand.u32 $0xFFFFFF80, v7;
	v7 =	vand.u32 $0x7F, v7;
	v0 =	vadd.s32 v0, v13  }
0x206: {  	v1 =	vadd.s32 v1, v14;
	v3 =	vadd.s32 v3, v12;
	v0 =	vor.u32 v10, v0  }
0x207: {  	v1 =	vor.u32 v7, v1;
	v7 =	vand.u32 $0xFFFFFF80, v3;
	v2 =	vadd.s32 v2, v15  }
0x208: {  	v3 =	vand.u32 $0x7F, v3;
	v6 =	vadd.s32 v6, v7;
	v7 =	vand.u32 $0xFFFFFF80, v2  }
0x209: {  	v2 =	vand.u32 $0x7F, v2;
	v3 =	vor.u32 v3, v6;
	v5 =	vadd.s32 v5, v7  }
0x20a: {  	v2 =	vor.u32 v2, v5  }
0x20b: {  	v5 =	vld.idx.msk [tilespmem:v11+s25+$0x0], $0xffff  }
0x20c: {  	v0 =	vld.idx.msk [tilespmem:v0+s25+$0x0], $0xffff  }
0x20d: {  	[tilespmem:s22+$0x14400] =	vst v9;
	v1 =	vld.idx.msk [tilespmem:v1+s25+$0x0], $0xffff  }
0x20e: {  	[tilespmem:s26+$0xFFFFFFF0] =	vst v4;
	v3 =	vld.idx.msk [tilespmem:v3+s25+$0x0], $0xffff  }
0x20f: {  	[tilespmem:s26+$0xFFFFFFE0] =	vst v8;
	v2 =	vld.idx.msk [tilespmem:v2+s25+$0x0], $0xffff  }
0x210: {  	s14 =	sadd.s32 $0x40, s14;
	[tilespmem:s26+$0x0] =	vst v5  }
0x211: {  	[tilespmem:s14+$0xFFFFFFF0] =	vst v0  }
0x212: {  	[tilespmem:s15+$0x14400] =	vst v1  }
0x213: {  	[tilespmem:s14+$0xFFFFFFE0] =	vst v3  }
0x214: {  	[tilespmem:s14+$0x0] =	vst v2  }
0x215: {  	[tilespmem:s25], [sflag:$0x2] =	stream.indirect.gather [hbm4b:s1+s18], $0x80, s0, s18, $0xb8;
	[tilespmem:$0x1AF80] =	vst v63  }
0x216: {  	_ =	swait.ge [sflag:s19], $0x4000  }
0x217: {  	[sflag:s19] =	ssyncset.done $0x0  }
0x218: {  	s15 =	simm.s32 $0x18CA0;
	[sflag:s19] =	ssyncadd.s32 $0xFFFFC000  }
0x219: {  	v1 =	vld [tilespmem:s15+$0x0]  }
0x21a: {  	v2 =	vld [tilespmem:s15+$0xFFFFFFE0]  }
0x21b: {  	v4 =	vld [tilespmem:s15+$0xFFFFFFF0];
	_ =	sdelay $0x2  }
0x21c: {  	v0 =	vadd.s32 $0x300, v1  }
0x21d: {  	s22 =	simm.s32 $0x19920;
	v8 =	vld [tilespmem:s15+$0x10];
	v3 =	vadd.s32 $0x300, v2  }
0x21e: {  	v7 =	vld [tilespmem:s22+$0xFFFFFFF0];
	v6 =	vadd.s32 $0x300, v4  }
0x21f: {  	v5 =	vld [tilespmem:s22+$0xFFFFFFE0]  }
0x220: {  	v9 =	vld [tilespmem:s22+$0x0]  }
0x221: {  	v11 =	vld.idx.msk [tilespmem:v0+s20+$0x0], $0xffff  }
0x222: {  	v3 =	vld.idx.msk [tilespmem:v3+s20+$0x0], $0xffff  }
0x223: {  	v10 =	vadd.s32 $0x300, v8;
	v13 =	vld.idx.msk [tilespmem:v6+s20+$0x0], $0xffff;
	_ =	sdelay $0x3  }
0x224: {  	v12 =	vld [tilespmem:s22+$0x10];
	v2 =	vshll.u32 v2, $0x7;
	v6 =	vadd.s32 v9, v11;
	v9 =	vshll.u32 v1, $0x7  }
0x225: {  	s24 =	simm.s32 $0x18CE0;
	v14 =	vld.idx.msk [tilespmem:v10+s20+$0x0], $0xffff;
	v3 =	vadd.s32 v5, v3;
	v7 =	vadd.s32 v7, v13;
	v10 =	vand.u32 $0xFFFFFF80, v6  }
0x226: {  	v0 =	vld [tilespmem:s24+$0x0];
	v11 =	vand.u32 $0x7F, v6;
	v15 =	vand.u32 $0xFFFFFF80, v3;
	v9 =	vadd.s32 v9, v10  }
0x227: {  	v1 =	vld [tilespmem:s24+$0xFFFFFFE0];
	v10 =	vand.u32 $0x7F, v3;
	v2 =	vadd.s32 v2, v15;
	v9 =	vor.u32 v11, v9  }
0x228: {  	v4 =	vshll.u32 v4, $0x7;
	v5 =	vld [tilespmem:s24+$0x10];
	v11 =	vor.u32 v10, v2;
	v10 =	vand.u32 $0xFFFFFF80, v7  }
0x229: {  	v6 =	vld [tilespmem:s24+$0xFFFFFFF0];
	s24 =	simm.s32 $0x19960;
	v15 =	vand.u32 $0x7F, v7;
	v4 =	vadd.s32 v4, v10  }
0x22a: {  	v3 =	vld [tilespmem:s24+$0xFFFFFFF0];
	v15 =	vor.u32 v15, v4  }
0x22b: {  	v2 =	vld [tilespmem:s24+$0x10]  }
0x22c: {  	v13 =	vadd.s32 $0x300, v0;
	v4 =	vld.idx.msk [tilespmem:v9+s21+$0x0], $0xffff  }
0x22d: {  	v16 =	vadd.s32 $0x300, v1;
	v9 =	vld.idx.msk [tilespmem:v11+s21+$0x0], $0xffff;
	v11 =	vadd.s32 v12, v14  }
0x22e: {  	v8 =	vshll.u32 v8, $0x7;
	v7 =	vld [tilespmem:s24+$0xFFFFFFE0];
	v17 =	vadd.s32 $0x300, v6;
	v12 =	vand.u32 $0xFFFFFF80, v11  }
0x22f: {  	v11 =	vand.u32 $0x7F, v11;
	v12 =	vadd.s32 v8, v12;
	v8 =	vld.idx.msk [tilespmem:v15+s21+$0x0], $0xffff;
	v15 =	vadd.s32 $0x300, v5  }
0x230: {  	v10 =	vld [tilespmem:s24+$0x0];
	v11 =	vor.u32 v11, v12  }
0x231: {  	s28 =	simm.s32 $0x40;
	v13 =	vld.idx.msk [tilespmem:v13+s20+$0x0], $0xffff  }
0x232: {  	s29 =	simm.s32 $0x18D20;
	s26 =	simm.s32 $0x0;
	s14 =	simm.s32 $0x15090;
	v14 =	vld.idx.msk [tilespmem:v16+s20+$0x0], $0xffff  }
0x233: {  	s22 =	sand.u32 $0xFC0, s26;
	s15 =	sand.u32 $0xFC0, s28;
	s26 =	simm.s32 $0x15090;
	v12 =	vld.idx.msk [tilespmem:v17+s20+$0x0], $0xffff  }
.LBB2_20:
0x234: {  	s28 =	sadd.s32 $0x40, s28;
	v15 =	vld.idx.msk [tilespmem:v15+s20+$0x0], $0xffff;
	s14 =	sadd.s32 $0x40, s14  }
0x235: {  	v16 =	vshll.u32 v6, $0x7;
	v17 =	vshll.u32 v5, $0x7;
	p0 =	slt.u32 s28, $0xC40;
	[tilespmem:s22+$0x15080] =	vst v9;
	v9 =	vld.idx.msk [tilespmem:v11+s21+$0x0], $0xffff;
	s22 =	smov.u32 s15;
	s15 =	sand.u32 $0xFC0, s28  }
0x236: {  	v6 =	vshll.u32 v0, $0x7;
	v11 =	vshll.u32 v1, $0x7;
	v5 =	vadd.s32 v10, v13;
	v0 =	vld [tilespmem:s29+$0x0]  }
0x237: {  	v7 =	vadd.s32 v7, v14;
	v10 =	vand.u32 $0xFFFFFF80, v5;
	v13 =	vand.u32 $0x7F, v5;
	v1 =	vld [tilespmem:s29+$0xFFFFFFE0]  }
0x238: {  	v14 =	vand.u32 $0xFFFFFF80, v7;
	v7 =	vand.u32 $0x7F, v7;
	v10 =	vadd.s32 v6, v10;
	v5 =	vld [tilespmem:s29+$0x10];
	[tilespmem:s26+$0x0] =	vst v8  }
0x239: {  	s24 =	sadd.s32 $0x40, s24;
	v8 =	vadd.s32 v11, v14;
	v11 =	vadd.s32 v3, v12;
	v12 =	vor.u32 v13, v10;
	v6 =	vld [tilespmem:s29+$0xFFFFFFF0]  }
0x23a: {  	v8 =	vor.u32 v7, v8;
	v13 =	vand.u32 $0x7F, v11;
	v14 =	vadd.s32 v2, v15;
	v3 =	vld [tilespmem:s24+$0xFFFFFFF0];
	[tilespmem:s26+$0x10] =	vst v4  }
0x23b: {  	v4 =	vand.u32 $0xFFFFFF80, v11;
	v10 =	vand.u32 $0xFFFFFF80, v14;
	v18 =	vadd.s32 $0x300, v0;
	v2 =	vld [tilespmem:s24+$0x10];
	[tilespmem:s26+$0x20] =	vst v9;
	s26 =	smov.u32 s14  }
0x23c: {  	v4 =	vadd.s32 v16, v4;
	v11 =	vadd.s32 v17, v10;
	v7 =	vld [tilespmem:s24+$0xFFFFFFE0];
	v19 =	vadd.s32 $0x300, v1  }
0x23d: {  	v16 =	vor.u32 v13, v4;
	v10 =	vld [tilespmem:s24+$0x0]  }
0x23e: {  	v17 =	vadd.s32 $0x300, v6;
	v4 =	vld.idx.msk [tilespmem:v12+s21+$0x0], $0xffff;
	v12 =	vand.u32 $0x7F, v14  }
.Ltmp9:
0x23f: {  	v15 =	vadd.s32 $0x300, v5;
	v9 =	vld.idx.msk [tilespmem:v8+s21+$0x0], $0xffff;
	v11 =	vor.u32 v12, v11;
	(pc) =	sbr.rel @p0 .LBB2_20-.Ltmp9, $4  }
0x240: {  	v13 =	vld.idx.msk [tilespmem:v18+s20+$0x0], $0xffff  }
0x241: {  	v14 =	vld.idx.msk [tilespmem:v19+s20+$0x0], $0xffff  }
0x242: {  	v8 =	vld.idx.msk [tilespmem:v16+s21+$0x0], $0xffff  }
0x243: {  	s29 =	sadd.s32 $0x40, s29;
	v12 =	vld.idx.msk [tilespmem:v17+s20+$0x0], $0xffff  }
0x244: {  	_ =	sdelay $0x3  }
0x245: {  	v15 =	vld.idx.msk [tilespmem:v15+s20+$0x0], $0xffff;
	v6 =	vshll.u32 v6, $0x7;
	v5 =	vshll.u32 v5, $0x7  }
0x246: {  	v1 =	vshll.u32 v1, $0x7;
	v0 =	vshll.u32 v0, $0x7;
	v10 =	vadd.s32 v10, v13  }
0x247: {  	v7 =	vadd.s32 v7, v14;
	v13 =	vand.u32 $0xFFFFFF80, v10;
	v10 =	vand.u32 $0x7F, v10  }
0x248: {  	v14 =	vand.u32 $0xFFFFFF80, v7;
	v7 =	vand.u32 $0x7F, v7;
	v0 =	vadd.s32 v0, v13  }
0x249: {  	v1 =	vadd.s32 v1, v14;
	v3 =	vadd.s32 v3, v12;
	v0 =	vor.u32 v10, v0  }
0x24a: {  	v1 =	vor.u32 v7, v1;
	v7 =	vand.u32 $0xFFFFFF80, v3;
	v2 =	vadd.s32 v2, v15  }
0x24b: {  	v3 =	vand.u32 $0x7F, v3;
	v6 =	vadd.s32 v6, v7;
	v7 =	vand.u32 $0xFFFFFF80, v2  }
0x24c: {  	v2 =	vand.u32 $0x7F, v2;
	v3 =	vor.u32 v3, v6;
	v5 =	vadd.s32 v5, v7  }
0x24d: {  	v2 =	vor.u32 v2, v5  }
0x24e: {  	v5 =	vld.idx.msk [tilespmem:v11+s21+$0x0], $0xffff  }
0x24f: {  	v0 =	vld.idx.msk [tilespmem:v0+s21+$0x0], $0xffff  }
0x250: {  	[tilespmem:s22+$0x15080] =	vst v9;
	v1 =	vld.idx.msk [tilespmem:v1+s21+$0x0], $0xffff  }
0x251: {  	[tilespmem:s26+$0x10] =	vst v4;
	v3 =	vld.idx.msk [tilespmem:v3+s21+$0x0], $0xffff  }
0x252: {  	[tilespmem:s26+$0x0] =	vst v8;
	v2 =	vld.idx.msk [tilespmem:v2+s21+$0x0], $0xffff  }
0x253: {  	s14 =	sadd.s32 $0x40, s14;
	[tilespmem:s26+$0x20] =	vst v5  }
0x254: {  	[tilespmem:s14+$0x10] =	vst v0  }
0x255: {  	[tilespmem:s15+$0x15080] =	vst v1  }
0x256: {  	[tilespmem:s14+$0x0] =	vst v3  }
0x257: {  	[tilespmem:s14+$0x20] =	vst v2  }
0x258: {  	[tilespmem:s21], [sflag:$0x2] =	stream.indirect.gather [hbm4b:s1+s18], $0x80, s3, s18, $0xb8;
	[tilespmem:$0x1AF80] =	vst v63  }
0x259: {  	_ =	swait.ge [sflag:s19], $0x4000  }
0x25a: {  	[sflag:s19] =	ssyncset.done $0x0  }
0x25b: {  	s15 =	simm.s32 $0x18CA0;
	[sflag:s19] =	ssyncadd.s32 $0xFFFFC000  }
0x25c: {  	v1 =	vld [tilespmem:s15+$0x0]  }
0x25d: {  	v2 =	vld [tilespmem:s15+$0xFFFFFFE0]  }
0x25e: {  	v4 =	vld [tilespmem:s15+$0xFFFFFFF0];
	_ =	sdelay $0x2  }
0x25f: {  	v0 =	vadd.s32 $0x380, v1  }
0x260: {  	s22 =	simm.s32 $0x19920;
	v8 =	vld [tilespmem:s15+$0x10];
	v3 =	vadd.s32 $0x380, v2  }
0x261: {  	v7 =	vld [tilespmem:s22+$0xFFFFFFF0];
	v6 =	vadd.s32 $0x380, v4  }
0x262: {  	v5 =	vld [tilespmem:s22+$0xFFFFFFE0]  }
0x263: {  	v9 =	vld [tilespmem:s22+$0x0]  }
0x264: {  	v11 =	vld.idx.msk [tilespmem:v0+s20+$0x0], $0xffff  }
0x265: {  	v3 =	vld.idx.msk [tilespmem:v3+s20+$0x0], $0xffff  }
0x266: {  	v10 =	vadd.s32 $0x380, v8;
	v13 =	vld.idx.msk [tilespmem:v6+s20+$0x0], $0xffff;
	_ =	sdelay $0x3  }
0x267: {  	v12 =	vld [tilespmem:s22+$0x10];
	v2 =	vshll.u32 v2, $0x7;
	v6 =	vadd.s32 v9, v11;
	v9 =	vshll.u32 v1, $0x7  }
0x268: {  	s24 =	simm.s32 $0x18CE0;
	v14 =	vld.idx.msk [tilespmem:v10+s20+$0x0], $0xffff;
	v3 =	vadd.s32 v5, v3;
	v7 =	vadd.s32 v7, v13;
	v10 =	vand.u32 $0xFFFFFF80, v6  }
0x269: {  	v0 =	vld [tilespmem:s24+$0x0];
	v11 =	vand.u32 $0x7F, v6;
	v15 =	vand.u32 $0xFFFFFF80, v3;
	v9 =	vadd.s32 v9, v10  }
0x26a: {  	v1 =	vld [tilespmem:s24+$0xFFFFFFE0];
	v10 =	vand.u32 $0x7F, v3;
	v2 =	vadd.s32 v2, v15;
	v9 =	vor.u32 v11, v9  }
0x26b: {  	v4 =	vshll.u32 v4, $0x7;
	v5 =	vld [tilespmem:s24+$0x10];
	v11 =	vor.u32 v10, v2;
	v10 =	vand.u32 $0xFFFFFF80, v7  }
0x26c: {  	v6 =	vld [tilespmem:s24+$0xFFFFFFF0];
	s24 =	simm.s32 $0x19960;
	v15 =	vand.u32 $0x7F, v7;
	v4 =	vadd.s32 v4, v10  }
0x26d: {  	v3 =	vld [tilespmem:s24+$0xFFFFFFF0];
	v15 =	vor.u32 v15, v4  }
0x26e: {  	v2 =	vld [tilespmem:s24+$0x10]  }
0x26f: {  	v13 =	vadd.s32 $0x380, v0;
	v4 =	vld.idx.msk [tilespmem:v9+s23+$0x0], $0xffff  }
0x270: {  	v16 =	vadd.s32 $0x380, v1;
	v9 =	vld.idx.msk [tilespmem:v11+s23+$0x0], $0xffff;
	v11 =	vadd.s32 v12, v14  }
0x271: {  	v8 =	vshll.u32 v8, $0x7;
	v7 =	vld [tilespmem:s24+$0xFFFFFFE0];
	v17 =	vadd.s32 $0x380, v6;
	v12 =	vand.u32 $0xFFFFFF80, v11  }
0x272: {  	v11 =	vand.u32 $0x7F, v11;
	v12 =	vadd.s32 v8, v12;
	v8 =	vld.idx.msk [tilespmem:v15+s23+$0x0], $0xffff;
	v15 =	vadd.s32 $0x380, v5  }
0x273: {  	v10 =	vld [tilespmem:s24+$0x0];
	v11 =	vor.u32 v11, v12  }
0x274: {  	s28 =	simm.s32 $0x40;
	v13 =	vld.idx.msk [tilespmem:v13+s20+$0x0], $0xffff  }
0x275: {  	s29 =	simm.s32 $0x18D20;
	s26 =	simm.s32 $0x0;
	s14 =	simm.s32 $0x15D10;
	v14 =	vld.idx.msk [tilespmem:v16+s20+$0x0], $0xffff  }
0x276: {  	s22 =	sand.u32 $0xFC0, s26;
	s15 =	sand.u32 $0xFC0, s28;
	s26 =	simm.s32 $0x15D10;
	v12 =	vld.idx.msk [tilespmem:v17+s20+$0x0], $0xffff  }
.LBB2_22:
0x277: {  	s28 =	sadd.s32 $0x40, s28;
	v15 =	vld.idx.msk [tilespmem:v15+s20+$0x0], $0xffff;
	s14 =	sadd.s32 $0x40, s14  }
0x278: {  	v16 =	vshll.u32 v6, $0x7;
	v17 =	vshll.u32 v5, $0x7;
	p0 =	slt.u32 s28, $0xC40;
	[tilespmem:s22+$0x15D00] =	vst v9;
	v9 =	vld.idx.msk [tilespmem:v11+s23+$0x0], $0xffff;
	s22 =	smov.u32 s15;
	s15 =	sand.u32 $0xFC0, s28  }
0x279: {  	v6 =	vshll.u32 v0, $0x7;
	v11 =	vshll.u32 v1, $0x7;
	v5 =	vadd.s32 v10, v13;
	v0 =	vld [tilespmem:s29+$0x0]  }
0x27a: {  	v7 =	vadd.s32 v7, v14;
	v10 =	vand.u32 $0xFFFFFF80, v5;
	v13 =	vand.u32 $0x7F, v5;
	v1 =	vld [tilespmem:s29+$0xFFFFFFE0]  }
0x27b: {  	v14 =	vand.u32 $0xFFFFFF80, v7;
	v7 =	vand.u32 $0x7F, v7;
	v10 =	vadd.s32 v6, v10;
	v5 =	vld [tilespmem:s29+$0x10];
	[tilespmem:s26+$0x0] =	vst v8  }
0x27c: {  	s24 =	sadd.s32 $0x40, s24;
	v8 =	vadd.s32 v11, v14;
	v11 =	vadd.s32 v3, v12;
	v12 =	vor.u32 v13, v10;
	v6 =	vld [tilespmem:s29+$0xFFFFFFF0]  }
0x27d: {  	v8 =	vor.u32 v7, v8;
	v13 =	vand.u32 $0x7F, v11;
	v14 =	vadd.s32 v2, v15;
	v3 =	vld [tilespmem:s24+$0xFFFFFFF0];
	[tilespmem:s26+$0x10] =	vst v4  }
0x27e: {  	v4 =	vand.u32 $0xFFFFFF80, v11;
	v10 =	vand.u32 $0xFFFFFF80, v14;
	v18 =	vadd.s32 $0x380, v0;
	v2 =	vld [tilespmem:s24+$0x10];
	[tilespmem:s26+$0x20] =	vst v9;
	s26 =	smov.u32 s14  }
0x27f: {  	v4 =	vadd.s32 v16, v4;
	v11 =	vadd.s32 v17, v10;
	v7 =	vld [tilespmem:s24+$0xFFFFFFE0];
	v19 =	vadd.s32 $0x380, v1  }
0x280: {  	v16 =	vor.u32 v13, v4;
	v10 =	vld [tilespmem:s24+$0x0]  }
0x281: {  	v17 =	vadd.s32 $0x380, v6;
	v4 =	vld.idx.msk [tilespmem:v12+s23+$0x0], $0xffff;
	v12 =	vand.u32 $0x7F, v14  }
.Ltmp10:
0x282: {  	v15 =	vadd.s32 $0x380, v5;
	v9 =	vld.idx.msk [tilespmem:v8+s23+$0x0], $0xffff;
	v11 =	vor.u32 v12, v11;
	(pc) =	sbr.rel @p0 .LBB2_22-.Ltmp10, $4  }
0x283: {  	v13 =	vld.idx.msk [tilespmem:v18+s20+$0x0], $0xffff  }
0x284: {  	v14 =	vld.idx.msk [tilespmem:v19+s20+$0x0], $0xffff  }
0x285: {  	v8 =	vld.idx.msk [tilespmem:v16+s23+$0x0], $0xffff  }
0x286: {  	s29 =	sadd.s32 $0x40, s29;
	v12 =	vld.idx.msk [tilespmem:v17+s20+$0x0], $0xffff  }
0x287: {  	_ =	sdelay $0x3  }
0x288: {  	v15 =	vld.idx.msk [tilespmem:v15+s20+$0x0], $0xffff;
	v6 =	vshll.u32 v6, $0x7;
	v5 =	vshll.u32 v5, $0x7  }
0x289: {  	v1 =	vshll.u32 v1, $0x7;
	v0 =	vshll.u32 v0, $0x7;
	v10 =	vadd.s32 v10, v13  }
0x28a: {  	v7 =	vadd.s32 v7, v14;
	v13 =	vand.u32 $0xFFFFFF80, v10;
	v10 =	vand.u32 $0x7F, v10  }
0x28b: {  	v14 =	vand.u32 $0xFFFFFF80, v7;
	v7 =	vand.u32 $0x7F, v7;
	v0 =	vadd.s32 v0, v13  }
0x28c: {  	v1 =	vadd.s32 v1, v14;
	v3 =	vadd.s32 v3, v12;
	v0 =	vor.u32 v10, v0  }
0x28d: {  	v1 =	vor.u32 v7, v1;
	v7 =	vand.u32 $0xFFFFFF80, v3;
	v2 =	vadd.s32 v2, v15  }
0x28e: {  	v3 =	vand.u32 $0x7F, v3;
	v6 =	vadd.s32 v6, v7;
	v7 =	vand.u32 $0xFFFFFF80, v2  }
0x28f: {  	v2 =	vand.u32 $0x7F, v2;
	v3 =	vor.u32 v3, v6;
	v5 =	vadd.s32 v5, v7  }
0x290: {  	v2 =	vor.u32 v2, v5  }
0x291: {  	v5 =	vld.idx.msk [tilespmem:v11+s23+$0x0], $0xffff  }
0x292: {  	v0 =	vld.idx.msk [tilespmem:v0+s23+$0x0], $0xffff  }
0x293: {  	[tilespmem:s22+$0x15D00] =	vst v9;
	v1 =	vld.idx.msk [tilespmem:v1+s23+$0x0], $0xffff  }
0x294: {  	[tilespmem:s26+$0x10] =	vst v4;
	v3 =	vld.idx.msk [tilespmem:v3+s23+$0x0], $0xffff  }
0x295: {  	[tilespmem:s26+$0x0] =	vst v8;
	v2 =	vld.idx.msk [tilespmem:v2+s23+$0x0], $0xffff  }
0x296: {  	s14 =	sadd.s32 $0x40, s14;
	[tilespmem:s26+$0x20] =	vst v5  }
0x297: {  	[tilespmem:s14+$0x10] =	vst v0  }
0x298: {  	[tilespmem:s15+$0x15D00] =	vst v1  }
0x299: {  	[tilespmem:s14+$0x0] =	vst v3  }
0x29a: {  	[tilespmem:s14+$0x20] =	vst v2  }
0x29b: {  	_ =	swait.ge [sflag:s19], $0x4000  }
0x29c: {  	[sflag:s19] =	ssyncset.done $0x0  }
0x29d: {  	s15 =	simm.s32 $0x18CA0;
	[sflag:s19] =	ssyncadd.s32 $0xFFFFC000  }
0x29e: {  	v1 =	vld [tilespmem:s15+$0x0]  }
0x29f: {  	v2 =	vld [tilespmem:s15+$0xFFFFFFE0]  }
0x2a0: {  	v4 =	vld [tilespmem:s15+$0xFFFFFFF0];
	_ =	sdelay $0x2  }
0x2a1: {  	v0 =	vadd.s32 $0x400, v1  }
0x2a2: {  	s22 =	simm.s32 $0x19920;
	v8 =	vld [tilespmem:s15+$0x10];
	v3 =	vadd.s32 $0x400, v2  }
0x2a3: {  	v7 =	vld [tilespmem:s22+$0xFFFFFFF0];
	v6 =	vadd.s32 $0x400, v4  }
0x2a4: {  	v5 =	vld [tilespmem:s22+$0xFFFFFFE0]  }
0x2a5: {  	v9 =	vld [tilespmem:s22+$0x0]  }
0x2a6: {  	v11 =	vld.idx.msk [tilespmem:v0+s20+$0x0], $0xffff  }
0x2a7: {  	v3 =	vld.idx.msk [tilespmem:v3+s20+$0x0], $0xffff  }
0x2a8: {  	v10 =	vadd.s32 $0x400, v8;
	v13 =	vld.idx.msk [tilespmem:v6+s20+$0x0], $0xffff;
	_ =	sdelay $0x3  }
0x2a9: {  	v12 =	vld [tilespmem:s22+$0x10];
	v2 =	vshll.u32 v2, $0x7;
	v6 =	vadd.s32 v9, v11;
	v9 =	vshll.u32 v1, $0x7  }
0x2aa: {  	s24 =	simm.s32 $0x18CE0;
	v14 =	vld.idx.msk [tilespmem:v10+s20+$0x0], $0xffff;
	v3 =	vadd.s32 v5, v3;
	v7 =	vadd.s32 v7, v13;
	v10 =	vand.u32 $0xFFFFFF80, v6  }
0x2ab: {  	v0 =	vld [tilespmem:s24+$0x0];
	v11 =	vand.u32 $0x7F, v6;
	v15 =	vand.u32 $0xFFFFFF80, v3;
	v9 =	vadd.s32 v9, v10  }
0x2ac: {  	v1 =	vld [tilespmem:s24+$0xFFFFFFE0];
	v10 =	vand.u32 $0x7F, v3;
	v2 =	vadd.s32 v2, v15;
	v9 =	vor.u32 v11, v9  }
0x2ad: {  	v4 =	vshll.u32 v4, $0x7;
	v5 =	vld [tilespmem:s24+$0x10];
	v11 =	vor.u32 v10, v2;
	v10 =	vand.u32 $0xFFFFFF80, v7  }
0x2ae: {  	v6 =	vld [tilespmem:s24+$0xFFFFFFF0];
	s24 =	simm.s32 $0x19960;
	v15 =	vand.u32 $0x7F, v7;
	v4 =	vadd.s32 v4, v10  }
0x2af: {  	v3 =	vld [tilespmem:s24+$0xFFFFFFF0];
	v15 =	vor.u32 v15, v4  }
0x2b0: {  	v2 =	vld [tilespmem:s24+$0x10]  }
0x2b1: {  	v13 =	vadd.s32 $0x400, v0;
	v4 =	vld.idx.msk [tilespmem:v9+s25+$0x0], $0xffff  }
0x2b2: {  	v16 =	vadd.s32 $0x400, v1;
	v9 =	vld.idx.msk [tilespmem:v11+s25+$0x0], $0xffff;
	v11 =	vadd.s32 v12, v14  }
0x2b3: {  	v8 =	vshll.u32 v8, $0x7;
	v7 =	vld [tilespmem:s24+$0xFFFFFFE0];
	v17 =	vadd.s32 $0x400, v6;
	v12 =	vand.u32 $0xFFFFFF80, v11  }
0x2b4: {  	v11 =	vand.u32 $0x7F, v11;
	v12 =	vadd.s32 v8, v12;
	v8 =	vld.idx.msk [tilespmem:v15+s25+$0x0], $0xffff;
	v15 =	vadd.s32 $0x400, v5  }
0x2b5: {  	v10 =	vld [tilespmem:s24+$0x0];
	v11 =	vor.u32 v11, v12  }
0x2b6: {  	s28 =	simm.s32 $0x40;
	v13 =	vld.idx.msk [tilespmem:v13+s20+$0x0], $0xffff  }
0x2b7: {  	s29 =	simm.s32 $0x18D20;
	s26 =	simm.s32 $0x0;
	s14 =	simm.s32 $0x16990;
	v14 =	vld.idx.msk [tilespmem:v16+s20+$0x0], $0xffff  }
0x2b8: {  	s22 =	sand.u32 $0xFC0, s26;
	s15 =	sand.u32 $0xFC0, s28;
	s26 =	simm.s32 $0x16990;
	v12 =	vld.idx.msk [tilespmem:v17+s20+$0x0], $0xffff  }
.LBB2_24:
0x2b9: {  	s28 =	sadd.s32 $0x40, s28;
	v15 =	vld.idx.msk [tilespmem:v15+s20+$0x0], $0xffff;
	s14 =	sadd.s32 $0x40, s14  }
0x2ba: {  	v16 =	vshll.u32 v6, $0x7;
	v17 =	vshll.u32 v5, $0x7;
	p0 =	slt.u32 s28, $0xC40;
	[tilespmem:s22+$0x16980] =	vst v9;
	v9 =	vld.idx.msk [tilespmem:v11+s25+$0x0], $0xffff;
	s22 =	smov.u32 s15;
	s15 =	sand.u32 $0xFC0, s28  }
0x2bb: {  	v6 =	vshll.u32 v0, $0x7;
	v11 =	vshll.u32 v1, $0x7;
	v5 =	vadd.s32 v10, v13;
	v0 =	vld [tilespmem:s29+$0x0]  }
0x2bc: {  	v7 =	vadd.s32 v7, v14;
	v10 =	vand.u32 $0xFFFFFF80, v5;
	v13 =	vand.u32 $0x7F, v5;
	v1 =	vld [tilespmem:s29+$0xFFFFFFE0]  }
0x2bd: {  	v14 =	vand.u32 $0xFFFFFF80, v7;
	v7 =	vand.u32 $0x7F, v7;
	v10 =	vadd.s32 v6, v10;
	v5 =	vld [tilespmem:s29+$0x10];
	[tilespmem:s26+$0x0] =	vst v8  }
0x2be: {  	s24 =	sadd.s32 $0x40, s24;
	v8 =	vadd.s32 v11, v14;
	v11 =	vadd.s32 v3, v12;
	v12 =	vor.u32 v13, v10;
	v6 =	vld [tilespmem:s29+$0xFFFFFFF0]  }
0x2bf: {  	v8 =	vor.u32 v7, v8;
	v13 =	vand.u32 $0x7F, v11;
	v14 =	vadd.s32 v2, v15;
	v3 =	vld [tilespmem:s24+$0xFFFFFFF0];
	[tilespmem:s26+$0x10] =	vst v4  }
0x2c0: {  	v4 =	vand.u32 $0xFFFFFF80, v11;
	v10 =	vand.u32 $0xFFFFFF80, v14;
	v18 =	vadd.s32 $0x400, v0;
	v2 =	vld [tilespmem:s24+$0x10];
	[tilespmem:s26+$0x20] =	vst v9;
	s26 =	smov.u32 s14  }
0x2c1: {  	v4 =	vadd.s32 v16, v4;
	v11 =	vadd.s32 v17, v10;
	v7 =	vld [tilespmem:s24+$0xFFFFFFE0];
	v19 =	vadd.s32 $0x400, v1  }
0x2c2: {  	v16 =	vor.u32 v13, v4;
	v10 =	vld [tilespmem:s24+$0x0]  }
0x2c3: {  	v17 =	vadd.s32 $0x400, v6;
	v4 =	vld.idx.msk [tilespmem:v12+s25+$0x0], $0xffff;
	v12 =	vand.u32 $0x7F, v14  }
.Ltmp11:
0x2c4: {  	v15 =	vadd.s32 $0x400, v5;
	v9 =	vld.idx.msk [tilespmem:v8+s25+$0x0], $0xffff;
	v11 =	vor.u32 v12, v11;
	(pc) =	sbr.rel @p0 .LBB2_24-.Ltmp11, $4  }
0x2c5: {  	v13 =	vld.idx.msk [tilespmem:v18+s20+$0x0], $0xffff  }
0x2c6: {  	v14 =	vld.idx.msk [tilespmem:v19+s20+$0x0], $0xffff  }
0x2c7: {  	v8 =	vld.idx.msk [tilespmem:v16+s25+$0x0], $0xffff  }
0x2c8: {  	s29 =	sadd.s32 $0x40, s29;
	v12 =	vld.idx.msk [tilespmem:v17+s20+$0x0], $0xffff  }
0x2c9: {  	_ =	sdelay $0x3  }
0x2ca: {  	v15 =	vld.idx.msk [tilespmem:v15+s20+$0x0], $0xffff;
	v6 =	vshll.u32 v6, $0x7;
	v5 =	vshll.u32 v5, $0x7  }
0x2cb: {  	v1 =	vshll.u32 v1, $0x7;
	v0 =	vshll.u32 v0, $0x7;
	v10 =	vadd.s32 v10, v13  }
0x2cc: {  	v7 =	vadd.s32 v7, v14;
	v13 =	vand.u32 $0xFFFFFF80, v10;
	v10 =	vand.u32 $0x7F, v10  }
0x2cd: {  	v14 =	vand.u32 $0xFFFFFF80, v7;
	v7 =	vand.u32 $0x7F, v7;
	v0 =	vadd.s32 v0, v13  }
0x2ce: {  	v1 =	vadd.s32 v1, v14;
	v3 =	vadd.s32 v3, v12;
	v0 =	vor.u32 v10, v0  }
0x2cf: {  	v1 =	vor.u32 v7, v1;
	v7 =	vand.u32 $0xFFFFFF80, v3;
	v2 =	vadd.s32 v2, v15  }
0x2d0: {  	v3 =	vand.u32 $0x7F, v3;
	v6 =	vadd.s32 v6, v7;
	v7 =	vand.u32 $0xFFFFFF80, v2  }
0x2d1: {  	v2 =	vand.u32 $0x7F, v2;
	v3 =	vor.u32 v3, v6;
	v5 =	vadd.s32 v5, v7  }
0x2d2: {  	v2 =	vor.u32 v2, v5  }
0x2d3: {  	v5 =	vld.idx.msk [tilespmem:v11+s25+$0x0], $0xffff  }
0x2d4: {  	v0 =	vld.idx.msk [tilespmem:v0+s25+$0x0], $0xffff  }
0x2d5: {  	[tilespmem:s22+$0x16980] =	vst v9;
	v1 =	vld.idx.msk [tilespmem:v1+s25+$0x0], $0xffff  }
0x2d6: {  	[tilespmem:s26+$0x10] =	vst v4;
	v3 =	vld.idx.msk [tilespmem:v3+s25+$0x0], $0xffff  }
0x2d7: {  	[tilespmem:s26+$0x0] =	vst v8;
	v2 =	vld.idx.msk [tilespmem:v2+s25+$0x0], $0xffff  }
0x2d8: {  	s14 =	sadd.s32 $0x40, s14;
	[tilespmem:s26+$0x20] =	vst v5  }
0x2d9: {  	[tilespmem:s14+$0x10] =	vst v0  }
0x2da: {  	[tilespmem:s15+$0x16980] =	vst v1  }
0x2db: {  	[tilespmem:s14+$0x0] =	vst v3  }
0x2dc: {  	[tilespmem:s14+$0x20] =	vst v2  }
0x2dd: {  	_ =	swait.ge [sflag:s19], $0x4000  }
0x2de: {  	[sflag:s19] =	ssyncset.done $0x0  }
0x2df: {  	s15 =	simm.s32 $0x18CA0;
	[sflag:s19] =	ssyncadd.s32 $0xFFFFC000  }
0x2e0: {  	v1 =	vld [tilespmem:s15+$0x0]  }
0x2e1: {  	v2 =	vld [tilespmem:s15+$0xFFFFFFE0]  }
0x2e2: {  	v4 =	vld [tilespmem:s15+$0xFFFFFFF0];
	_ =	sdelay $0x2  }
0x2e3: {  	v0 =	vadd.s32 $0x480, v1  }
0x2e4: {  	s22 =	simm.s32 $0x19920;
	v8 =	vld [tilespmem:s15+$0x10];
	v3 =	vadd.s32 $0x480, v2  }
0x2e5: {  	v7 =	vld [tilespmem:s22+$0xFFFFFFF0];
	v6 =	vadd.s32 $0x480, v4  }
0x2e6: {  	v5 =	vld [tilespmem:s22+$0xFFFFFFE0]  }
0x2e7: {  	v9 =	vld [tilespmem:s22+$0x0]  }
0x2e8: {  	v11 =	vld.idx.msk [tilespmem:v0+s20+$0x0], $0xffff  }
0x2e9: {  	v3 =	vld.idx.msk [tilespmem:v3+s20+$0x0], $0xffff  }
0x2ea: {  	v10 =	vadd.s32 $0x480, v8;
	v13 =	vld.idx.msk [tilespmem:v6+s20+$0x0], $0xffff;
	_ =	sdelay $0x3  }
0x2eb: {  	v12 =	vld [tilespmem:s22+$0x10];
	v2 =	vshll.u32 v2, $0x7;
	v6 =	vadd.s32 v9, v11;
	v9 =	vshll.u32 v1, $0x7  }
0x2ec: {  	s24 =	simm.s32 $0x18CE0;
	v14 =	vld.idx.msk [tilespmem:v10+s20+$0x0], $0xffff;
	v3 =	vadd.s32 v5, v3;
	v7 =	vadd.s32 v7, v13;
	v10 =	vand.u32 $0xFFFFFF80, v6  }
0x2ed: {  	v0 =	vld [tilespmem:s24+$0x0];
	v11 =	vand.u32 $0x7F, v6;
	v15 =	vand.u32 $0xFFFFFF80, v3;
	v9 =	vadd.s32 v9, v10  }
0x2ee: {  	v1 =	vld [tilespmem:s24+$0xFFFFFFE0];
	v10 =	vand.u32 $0x7F, v3;
	v2 =	vadd.s32 v2, v15;
	v9 =	vor.u32 v11, v9  }
0x2ef: {  	v4 =	vshll.u32 v4, $0x7;
	v5 =	vld [tilespmem:s24+$0x10];
	v11 =	vor.u32 v10, v2;
	v10 =	vand.u32 $0xFFFFFF80, v7  }
0x2f0: {  	v6 =	vld [tilespmem:s24+$0xFFFFFFF0];
	s24 =	simm.s32 $0x19960;
	v15 =	vand.u32 $0x7F, v7;
	v4 =	vadd.s32 v4, v10  }
0x2f1: {  	v3 =	vld [tilespmem:s24+$0xFFFFFFF0];
	v15 =	vor.u32 v15, v4  }
0x2f2: {  	v2 =	vld [tilespmem:s24+$0x10]  }
0x2f3: {  	v13 =	vadd.s32 $0x480, v0;
	v4 =	vld.idx.msk [tilespmem:v9+s21+$0x0], $0xffff  }
0x2f4: {  	v16 =	vadd.s32 $0x480, v1;
	v9 =	vld.idx.msk [tilespmem:v11+s21+$0x0], $0xffff;
	v11 =	vadd.s32 v12, v14  }
0x2f5: {  	v8 =	vshll.u32 v8, $0x7;
	v7 =	vld [tilespmem:s24+$0xFFFFFFE0];
	v17 =	vadd.s32 $0x480, v6;
	v12 =	vand.u32 $0xFFFFFF80, v11  }
0x2f6: {  	v11 =	vand.u32 $0x7F, v11;
	v12 =	vadd.s32 v8, v12;
	v8 =	vld.idx.msk [tilespmem:v15+s21+$0x0], $0xffff;
	v15 =	vadd.s32 $0x480, v5  }
0x2f7: {  	v10 =	vld [tilespmem:s24+$0x0];
	v11 =	vor.u32 v11, v12  }
0x2f8: {  	s28 =	simm.s32 $0x40;
	v13 =	vld.idx.msk [tilespmem:v13+s20+$0x0], $0xffff  }
0x2f9: {  	s29 =	simm.s32 $0x18D20;
	s26 =	simm.s32 $0x0;
	s14 =	simm.s32 $0x17610;
	v14 =	vld.idx.msk [tilespmem:v16+s20+$0x0], $0xffff  }
0x2fa: {  	s22 =	sand.u32 $0xFC0, s26;
	s15 =	sand.u32 $0xFC0, s28;
	s26 =	simm.s32 $0x17610;
	v12 =	vld.idx.msk [tilespmem:v17+s20+$0x0], $0xffff  }
.LBB2_26:
0x2fb: {  	s28 =	sadd.s32 $0x40, s28;
	v15 =	vld.idx.msk [tilespmem:v15+s20+$0x0], $0xffff;
	s14 =	sadd.s32 $0x40, s14  }
0x2fc: {  	v16 =	vshll.u32 v6, $0x7;
	v17 =	vshll.u32 v5, $0x7;
	p0 =	slt.u32 s28, $0xC40;
	[tilespmem:s22+$0x17600] =	vst v9;
	v9 =	vld.idx.msk [tilespmem:v11+s21+$0x0], $0xffff;
	s22 =	smov.u32 s15;
	s15 =	sand.u32 $0xFC0, s28  }
0x2fd: {  	v6 =	vshll.u32 v0, $0x7;
	v11 =	vshll.u32 v1, $0x7;
	v5 =	vadd.s32 v10, v13;
	v0 =	vld [tilespmem:s29+$0x0]  }
0x2fe: {  	v7 =	vadd.s32 v7, v14;
	v10 =	vand.u32 $0xFFFFFF80, v5;
	v13 =	vand.u32 $0x7F, v5;
	v1 =	vld [tilespmem:s29+$0xFFFFFFE0]  }
0x2ff: {  	v14 =	vand.u32 $0xFFFFFF80, v7;
	v7 =	vand.u32 $0x7F, v7;
	v10 =	vadd.s32 v6, v10;
	v5 =	vld [tilespmem:s29+$0x10];
	[tilespmem:s26+$0x0] =	vst v8  }
0x300: {  	s24 =	sadd.s32 $0x40, s24;
	v8 =	vadd.s32 v11, v14;
	v11 =	vadd.s32 v3, v12;
	v12 =	vor.u32 v13, v10;
	v6 =	vld [tilespmem:s29+$0xFFFFFFF0]  }
0x301: {  	v8 =	vor.u32 v7, v8;
	v13 =	vand.u32 $0x7F, v11;
	v14 =	vadd.s32 v2, v15;
	v3 =	vld [tilespmem:s24+$0xFFFFFFF0];
	[tilespmem:s26+$0x10] =	vst v4  }
0x302: {  	v4 =	vand.u32 $0xFFFFFF80, v11;
	v10 =	vand.u32 $0xFFFFFF80, v14;
	v18 =	vadd.s32 $0x480, v0;
	v2 =	vld [tilespmem:s24+$0x10];
	[tilespmem:s26+$0x20] =	vst v9;
	s26 =	smov.u32 s14  }
0x303: {  	v4 =	vadd.s32 v16, v4;
	v11 =	vadd.s32 v17, v10;
	v7 =	vld [tilespmem:s24+$0xFFFFFFE0];
	v19 =	vadd.s32 $0x480, v1  }
0x304: {  	v16 =	vor.u32 v13, v4;
	v10 =	vld [tilespmem:s24+$0x0]  }
0x305: {  	v17 =	vadd.s32 $0x480, v6;
	v4 =	vld.idx.msk [tilespmem:v12+s21+$0x0], $0xffff;
	v12 =	vand.u32 $0x7F, v14  }
.Ltmp12:
0x306: {  	v15 =	vadd.s32 $0x480, v5;
	v9 =	vld.idx.msk [tilespmem:v8+s21+$0x0], $0xffff;
	v11 =	vor.u32 v12, v11;
	(pc) =	sbr.rel @p0 .LBB2_26-.Ltmp12, $4  }
0x307: {  	v13 =	vld.idx.msk [tilespmem:v18+s20+$0x0], $0xffff  }
0x308: {  	v14 =	vld.idx.msk [tilespmem:v19+s20+$0x0], $0xffff  }
0x309: {  	v8 =	vld.idx.msk [tilespmem:v16+s21+$0x0], $0xffff  }
0x30a: {  	s29 =	sadd.s32 $0x40, s29;
	v12 =	vld.idx.msk [tilespmem:v17+s20+$0x0], $0xffff  }
0x30b: {  	_ =	sdelay $0x3  }
0x30c: {  	v15 =	vld.idx.msk [tilespmem:v15+s20+$0x0], $0xffff;
	v6 =	vshll.u32 v6, $0x7;
	v5 =	vshll.u32 v5, $0x7  }
0x30d: {  	v1 =	vshll.u32 v1, $0x7;
	v0 =	vshll.u32 v0, $0x7;
	v10 =	vadd.s32 v10, v13  }
0x30e: {  	v7 =	vadd.s32 v7, v14;
	v13 =	vand.u32 $0xFFFFFF80, v10;
	v10 =	vand.u32 $0x7F, v10  }
0x30f: {  	v14 =	vand.u32 $0xFFFFFF80, v7;
	v7 =	vand.u32 $0x7F, v7;
	v0 =	vadd.s32 v0, v13  }
0x310: {  	v1 =	vadd.s32 v1, v14;
	v3 =	vadd.s32 v3, v12;
	v0 =	vor.u32 v10, v0  }
0x311: {  	v1 =	vor.u32 v7, v1;
	v61 =	vand.u32 $0xFFFFFF80, v3;
	v2 =	vadd.s32 v2, v15  }
0x312: {  	v3 =	vand.u32 $0x7F, v3;
	v6 =	vadd.s32 v6, v61;
	v62 =	vand.u32 $0xFFFFFF80, v2  }
0x313: {  	v2 =	vand.u32 $0x7F, v2;
	v3 =	vor.u32 v3, v6;
	v5 =	vadd.s32 v5, v62  }
0x314: {  	v2 =	vor.u32 v2, v5  }
0x315: {  	v63 =	vld.idx.msk [tilespmem:v11+s21+$0x0], $0xffff  }
0x316: {  	v0 =	vld.idx.msk [tilespmem:v0+s21+$0x0], $0xffff  }
0x317: {  	[tilespmem:s22+$0x17600] =	vst v9;
	v1 =	vld.idx.msk [tilespmem:v1+s21+$0x0], $0xffff  }
0x318: {  	[tilespmem:s26+$0x10] =	vst v4;
	v3 =	vld.idx.msk [tilespmem:v3+s21+$0x0], $0xffff  }
0x319: {  	[tilespmem:s26+$0x0] =	vst v8;
	v2 =	vld.idx.msk [tilespmem:v2+s21+$0x0], $0xffff  }
0x31a: {  	s14 =	sadd.s32 $0x40, s14;
	[tilespmem:s26+$0x20] =	vst v63  }
0x31b: {  	[tilespmem:s14+$0x10] =	vst v0  }
0x31c: {  	[tilespmem:s15+$0x17600] =	vst v1  }
0x31d: {  	[tilespmem:s14+$0x0] =	vst v3  }
0x31e: {  	s13 =	sadd.s32 $0x1, s13;
	[tilespmem:s14+$0x20] =	vst v2  }
0x31f: {  	[hbm4b:s10+s4] =	stream.linear.scatter [tilespmem:s2], [sflag:$0x3], $0x7D00, $0x38;
	[tilespmem:$0x1AF80] =	vst v63  }
0x320: {  	p0 =	sne.s32 s13, s11;
	_ =	swait.ge [sflag:s12], $0x500  }
.Ltmp13:
0x321: {  	[sflag:s12] =	ssyncset.done $0x0;
	(pc) =	sbr.rel @p0 .LBB2_1-.Ltmp13, $4  }
0x322: {  	[sflag:s12] =	ssyncadd.s32 $0xFFFFFB00  }
0x323: {  	_ =	swait.ge [sflag:s12], $0x7D00  }
0x324: {  	[sflag:s12] =	ssyncset.done $0x0  }
0x325: {  	[sflag:s12] =	ssyncadd.s32 $0xFFFF8300  }
0x326: {  	_ =	sfence.sel $0x180000  }
0x327: {  	[bflag:$0x0] =	sbarrier.arrive $0xFFFF  }
0x328: {  	_ =	strace $0x90000047  }
0x329: {  	s0 =	stileid.u32;
	[bflag:$0x2] =	sbarrier.arrive $0xFFFF  }
0x32a: {  	p0 =	sne.s32 s0, $0x0;
	s0 =	rddreg [dreg:$0x5]  }
0x32b: {  	s0 =	sadd.s32 @!p0 $0x100000, s0  }
0x32c: {  	[sflag:s0] =	ssyncadd.tile.s32 @!p0 $0x1;
	_ =	shalt  }
.Lfunc_end2:
_tile_overlayer_lowered:
.L_overlay_start_2:
0x32d: {  	(tag) =	ssettag $0x2  }
0x32e: {  	s0 =	rddreg [dreg:$0x0];
	s2 =	stileid.u32  }
0x32f: {  	s1 =	rddreg [dreg:$0x1];
	p0 =	sne.s32 s2, $0x0  }
0x330: {  	s3 =	rddreg [dreg:$0x2];
	[bflag:$0x3] =	sbarrier.arrive $0xFFFF;
	s2 =	simm.s32 @!p0 $0x1C04  }
0x331: {  	[timem:s3], [sflag:s2] =	dma.local @!p0 [hbm:s0], s1  }
0x332: {  	s0 =	simm.s32 @!p0 $0x4  }
0x333: {  	_ =	swait.ge @!p0 [sflag:s0], s1  }
0x334: {  	s1 =	ssub.s32 @!p0 $0x0, s1;
	[sflag:s0] =	ssyncset.done @!p0 $0x0  }
0x335: {  	[sflag:s0] =	ssyncadd.s32 @!p0 s1  }
0x336: {  	[bflag:$0x3] =	sbarrier.arrive $0xFFFF  }
0x337: {  	_ =	shalt  }

</sc_bundles>
